<compile_context>
chip_gen: v7x
topology: tpu7x:2x2x1
jax: 0.10.2.dev20260603
libtpu: 0.0.44.dev20260713+nightly
codegen_flags: <defaults>
</compile_context>

<pallas_src>
import functools

import jax
import jax.numpy as jnp
from jax import lax
from jax.experimental import pallas as pl
from jax.experimental.pallas import tpu as pltpu
from jax.experimental.pallas import tpu_sc as plsc

N = 10000
NP = 10240
E = 320000
NW = 32
CH = 128
CPW = 80
EPW = CH * CPW
EP = NW * EPW
RPT = NP // 16
RB = 1024

_mesh = plsc.VectorSubcoreMesh(core_axis_name="c", subcore_axis_name="s")


@functools.partial(
    pl.kernel,
    mesh=_mesh,
    out_type=jax.ShapeDtypeStruct((2, NP), jnp.float32),
    scratch_types=[
        pltpu.VMEM((CH,), jnp.int32),
        pltpu.VMEM((CH,), jnp.float32),
        pltpu.VMEM_SHARED((NP,), jnp.float32),
    ],
)
def _deg_kernel(dst_hbm, zeros_hbm, ones_hbm, out_hbm, idx_v, ones_v, deg_sh):
    cid = lax.axis_index("c")
    sid = lax.axis_index("s")
    wid = sid * 2 + cid
    row0 = sid * RPT
    pltpu.sync_copy(zeros_hbm.at[pl.ds(row0, RPT)], deg_sh.at[pl.ds(row0, RPT)])
    pltpu.sync_copy(ones_hbm, ones_v)
    plsc.subcore_barrier()
    base = wid * EPW

    def body(c, carry):
        off = base + c * CH
        pltpu.sync_copy(dst_hbm.at[pl.ds(off, CH)], idx_v)
        pltpu.sync_copy(ones_v, deg_sh.at[idx_v], add=True)
        return carry

    lax.fori_loop(0, CPW, body, 0)
    plsc.subcore_barrier()
    pltpu.sync_copy(deg_sh.at[pl.ds(row0, RPT)], out_hbm.at[cid, pl.ds(row0, RPT)])


def _make_agg(D):
    @functools.partial(
        pl.kernel,
        mesh=_mesh,
        compiler_params=pltpu.CompilerParams(use_tc_tiling_on_sc=False),
        out_type=jax.ShapeDtypeStruct((2, NP, D), jnp.float32),
        scratch_types=[
            pltpu.VMEM((CH,), jnp.int32),
            pltpu.VMEM((CH,), jnp.int32),
            pltpu.VMEM((CH, D), jnp.float32),
            pltpu.VMEM_SHARED((NP, D), jnp.float32),
            pltpu.SemaphoreType.DMA,
        ],
    )
    def agg(src_hbm, dst_hbm, xs_hbm, zeros_hbm, out_hbm, sidx, didx, buf, acc_sh, sem):
        cid = lax.axis_index("c")
        sid = lax.axis_index("s")
        wid = sid * 2 + cid
        row0 = sid * RPT
        pltpu.sync_copy(zeros_hbm.at[pl.ds(row0, RPT)], acc_sh.at[pl.ds(row0, RPT)])
        plsc.subcore_barrier()
        base = wid * EPW

        def body(c, carry):
            off = base + c * CH
            pltpu.sync_copy(src_hbm.at[pl.ds(off, CH)], sidx)
            pltpu.sync_copy(dst_hbm.at[pl.ds(off, CH)], didx)
            pltpu.async_copy(xs_hbm.at[sidx], buf, sem).wait()
            pltpu.sync_copy(buf, acc_sh.at[didx], add=True)
            return carry

        lax.fori_loop(0, CPW, body, 0)
        plsc.subcore_barrier()
        pltpu.sync_copy(acc_sh.at[pl.ds(row0, RPT)], out_hbm.at[cid, pl.ds(row0, RPT)])

    return agg


_agg128 = _make_agg(128)
_agg64 = _make_agg(64)


def _mm_scale(xp, dinvb, W, D):
    def body(x_ref, d_ref, w_ref, o_ref):
        o_ref[...] = jnp.dot(
            x_ref[...] * d_ref[...], w_ref[...], preferred_element_type=jnp.float32
        )

    return pl.pallas_call(
        body,
        grid=(NP // RB,),
        in_specs=[
            pl.BlockSpec((RB, 128), lambda i: (i, 0)),
            pl.BlockSpec((RB, 128), lambda i: (i, 0)),
            pl.BlockSpec((128, D), lambda i: (0, 0)),
        ],
        out_specs=pl.BlockSpec((RB, D), lambda i: (i, 0)),
        out_shape=jax.ShapeDtypeStruct((NP, D), jnp.float32),
    )(xp, dinvb, W)


def _layer1_combine(p0, p1, xs1, dinvb, b1, W2):
    def body(p0_ref, p1_ref, xs_ref, d_ref, b_ref, w_ref, z_ref, zs_ref):
        acc = p0_ref[...] + p1_ref[...] + xs_ref[...]
        z = jnp.maximum(d_ref[...] * acc + b_ref[...], 0.0)
        z_ref[...] = z
        zs_ref[...] = jnp.dot(
            d_ref[...] * z, w_ref[...], preferred_element_type=jnp.float32
        )

    return pl.pallas_call(
        body,
        grid=(NP // RB,),
        in_specs=[
            pl.BlockSpec((RB, 128), lambda i: (i, 0)),
            pl.BlockSpec((RB, 128), lambda i: (i, 0)),
            pl.BlockSpec((RB, 128), lambda i: (i, 0)),
            pl.BlockSpec((RB, 128), lambda i: (i, 0)),
            pl.BlockSpec((1, 128), lambda i: (0, 0)),
            pl.BlockSpec((128, 64), lambda i: (0, 0)),
        ],
        out_specs=[
            pl.BlockSpec((RB, 128), lambda i: (i, 0)),
            pl.BlockSpec((RB, 64), lambda i: (i, 0)),
        ],
        out_shape=[
            jax.ShapeDtypeStruct((NP, 128), jnp.float32),
            jax.ShapeDtypeStruct((NP, 64), jnp.float32),
        ],
    )(p0, p1, xs1, dinvb, b1, W2)


def _layer2_combine(q0, q1, zs2, dinvb, b2):
    def body(q0_ref, q1_ref, zs_ref, d_ref, b_ref, o_ref):
        acc = q0_ref[...] + q1_ref[...] + zs_ref[...]
        o_ref[...] = d_ref[..., :64] * acc + b_ref[...]

    return pl.pallas_call(
        body,
        grid=(NP // RB,),
        in_specs=[
            pl.BlockSpec((RB, 64), lambda i: (i, 0)),
            pl.BlockSpec((RB, 64), lambda i: (i, 0)),
            pl.BlockSpec((RB, 64), lambda i: (i, 0)),
            pl.BlockSpec((RB, 128), lambda i: (i, 0)),
            pl.BlockSpec((1, 64), lambda i: (0, 0)),
        ],
        out_specs=pl.BlockSpec((RB, 64), lambda i: (i, 0)),
        out_shape=jax.ShapeDtypeStruct((NP, 64), jnp.float32),
    )(q0, q1, zs2, dinvb, b2)


@jax.jit
def kernel(x, edge_index, W1, b1, W2, b2):
    src = edge_index[0].astype(jnp.int32)
    dst = edge_index[1].astype(jnp.int32)
    pad = jnp.full((EP - E,), N, dtype=jnp.int32)
    src_p = jnp.concatenate([src, pad])
    dst_p = jnp.concatenate([dst, pad])

    zeros1 = jnp.zeros((NP,), jnp.float32)
    ones_ch = jnp.ones((CH,), jnp.float32)
    degp = _deg_kernel(dst_p, zeros1, ones_ch)
    deg = degp[0] + degp[1] + 1.0
    dinv = lax.rsqrt(deg)
    dinvb = jnp.broadcast_to(dinv[:, None], (NP, 128))

    x_p = jnp.concatenate([x, jnp.zeros((NP - N, 128), jnp.float32)])
    xs1 = _mm_scale(x_p, dinvb, W1, 128)

    zeros128 = jnp.zeros((NP, 128), jnp.float32)
    p = _agg128(src_p, dst_p, xs1, zeros128)
    z_p, zs2 = _layer1_combine(p[0], p[1], xs1, dinvb, b1.reshape(1, 128), W2)

    zeros64 = jnp.zeros((NP, 64), jnp.float32)
    q = _agg64(src_p, dst_p, zs2, zeros64)
    logits_p = _layer2_combine(q[0], q[1], zs2, dinvb, b2.reshape(1, 64))

    return (logits_p[:N], z_p[:N])

# --- scband reference (transcript-rebuilt; emitter-appended) ---
"""Pipeline reference for scband-gcn-2516850835648 (READ-ONLY COPY).

The authoritative reference and input builder live on the scoring server;
editing this copy changes nothing except your own understanding.
"""

import jax, jax.numpy as jnp
import numpy as np

NUM_NODES = 10000
NUM_EDGES = 320000
IN_DIM = 128
HID_DIM = 128
OUT_DIM = 64


def setup_inputs(seed: int = 0) -> dict:
    key = jax.random.key(seed)
    k1, k2, k3, k4, k5, k6 = jax.random.split(key, 6)
    x = jax.random.normal(k1, (NUM_NODES, IN_DIM), dtype=jnp.float32)
    edge_index = jax.random.randint(k2, (2, NUM_EDGES), 0, NUM_NODES, dtype=jnp.int64)
    # Glorot-style init for GCNConv weights
    W1 = jax.random.normal(k3, (IN_DIM, HID_DIM), dtype=jnp.float32) * (1.0 / np.sqrt(IN_DIM))
    b1 = jnp.zeros((HID_DIM,), dtype=jnp.float32)
    W2 = jax.random.normal(k4, (HID_DIM, OUT_DIM), dtype=jnp.float32) * (1.0 / np.sqrt(HID_DIM))
    b2 = jnp.zeros((OUT_DIM,), dtype=jnp.float32)
    return {"x": x, "edge_index": edge_index, "W1": W1, "b1": b1, "W2": W2, "b2": b2}


def _gcn_conv(x, src, dst, W, b, num_nodes):
    # x' = D^{-1/2} (A + I) D^{-1/2} X W + b  (PyG GCNConv semantics)
    xw = x @ W
    deg = jnp.zeros((num_nodes,), dtype=xw.dtype).at[dst].add(1.0)
    deg_inv_sqrt = jnp.where(deg > 0, 1.0 / jnp.sqrt(deg), 0.0)
    norm = deg_inv_sqrt[src] * deg_inv_sqrt[dst]
    msg = xw[src] * norm[:, None]
    out = jnp.zeros((num_nodes, xw.shape[1]), dtype=xw.dtype).at[dst].add(msg)
    return out + b


def reference(x, edge_index, W1, b1, W2, b2):
    num_nodes = x.shape[0]
    # add self loops once, reuse for both conv layers
    loop = jnp.arange(num_nodes, dtype=edge_index.dtype)
    src = jnp.concatenate([edge_index[0], loop])
    dst = jnp.concatenate([edge_index[1], loop])
    z = _gcn_conv(x, src, dst, W1, b1, num_nodes)
    z = jax.nn.relu(z)
    # dropout is identity in deterministic/eval reference
    embedding = z
    logits = _gcn_conv(embedding, src, dst, W2, b2, num_nodes)
    return (logits, embedding)

if __name__ == "__main__":
    import jax
    _d = setup_inputs()
    print(jax.jit(kernel)(*tuple(_d.values())))

</pallas_src>

<mosaic_0001>
#map = affine_map<(d0, d1) -> (0)>
#map1 = affine_map<(d0, d1) -> (0, 0)>
module attributes {stable_mosaic.version = 14 : i64} {
  func.func @_deg_kernel(%arg0: i32, %arg1: i32, %arg2: memref<327680xi32, #tpu.memory_space<hbm>>, %arg3: memref<10240xf32, #tpu.memory_space<hbm>>, %arg4: memref<128xf32, #tpu.memory_space<hbm>>, %arg5: memref<2x10240xf32, #tpu.memory_space<hbm>>, %arg6: memref<128xi32, #tpu.memory_space<vmem>>, %arg7: memref<128xf32, #tpu.memory_space<vmem>>, %arg8: memref<10240xf32, #tpu.memory_space<vmem_shared>>) attributes {dimension_semantics = [#tpu.dimension_semantics<core_parallel>, #tpu.dimension_semantics<subcore_parallel>], iteration_bounds = array<i64: 2, 16>, scalar_prefetch = 0 : i64, scratch_operands = 3 : i64, tpu.core_type = #tpu.core_type<sc_vector_subcore>, window_params = [{transform_indices = #map}, {transform_indices = #map}, {transform_indices = #map}, {transform_indices = #map1}]} {
    %mul3A = arith.constant 2 : i32
    %mul3A_0 = arith.muli %arg1, %mul3A : i32
    %add3A = arith.addi %mul3A_0, %arg0 : i32
    %mul3A_1 = arith.constant 640 : i32
    %mul3A_2 = arith.muli %arg1, %mul3A_1 : i32
    "tpu.region"() ({
      %run_scoped3A = tpu.sem_alloc : memref<!tpu.dma_semaphore, #tpu.memory_space<semaphore_mem>>
      %dma_start3A = tpu.memref_slice %arg8[%mul3A_2] : memref<10240xf32, #tpu.memory_space<vmem_shared>> -> memref<640xf32, #tpu.memory_space<vmem_shared>>
      %dma_start3A_11 = tpu.memref_slice %arg3[%mul3A_2] : memref<10240xf32, #tpu.memory_space<hbm>> -> memref<640xf32, #tpu.memory_space<hbm>>
      tpu.enqueue_dma source(%dma_start3A_11 : memref<640xf32, #tpu.memory_space<hbm>>) target(%dma_start3A : memref<640xf32, #tpu.memory_space<vmem_shared>>) target_semaphore(%run_scoped3A : memref<!tpu.dma_semaphore, #tpu.memory_space<semaphore_mem>>)
      %dma_wait3A = tpu.memref_slice %arg8[%mul3A_2] : memref<10240xf32, #tpu.memory_space<vmem_shared>> -> memref<640xf32, #tpu.memory_space<vmem_shared>>
      %dma_wait3A_12 = tpu.memref_slice %arg3[%mul3A_2] : memref<10240xf32, #tpu.memory_space<hbm>> -> memref<640xf32, #tpu.memory_space<hbm>>
      tpu.wait_dma2 semaphore(%run_scoped3A : memref<!tpu.dma_semaphore, #tpu.memory_space<semaphore_mem>>) src(%dma_wait3A_12 : memref<640xf32, #tpu.memory_space<hbm>>) dst(%dma_wait3A : memref<640xf32, #tpu.memory_space<vmem_shared>>)
      tpu.yield
    }) : () -> ()
    "tpu.region"() ({
      %run_scoped3A = tpu.sem_alloc : memref<!tpu.dma_semaphore, #tpu.memory_space<semaphore_mem>>
      tpu.enqueue_dma source(%arg4 : memref<128xf32, #tpu.memory_space<hbm>>) target(%arg7 : memref<128xf32, #tpu.memory_space<vmem>>) target_semaphore(%run_scoped3A : memref<!tpu.dma_semaphore, #tpu.memory_space<semaphore_mem>>)
      tpu.wait_dma2 semaphore(%run_scoped3A : memref<!tpu.dma_semaphore, #tpu.memory_space<semaphore_mem>>) src(%arg4 : memref<128xf32, #tpu.memory_space<hbm>>) dst(%arg7 : memref<128xf32, #tpu.memory_space<vmem>>)
      tpu.yield
    }) : () -> ()
    %barrier3A = arith.constant 0 : index
    tpu.barrier barrier_id(%barrier3A)
    %mul3A_3 = arith.constant 10240 : i32
    %mul3A_4 = arith.muli %add3A, %mul3A_3 : i32
    %scan3A = arith.constant 0 : i32
    %scan3A_5 = arith.constant 0 : i32
    %scan3A_6 = arith.constant 80 : i32
    %scan3A_7 = arith.addi %scan3A_5, %scan3A_6 : i32
    %scan3A_8 = arith.constant 1 : i32
    scf.for %scan3A_11 = %scan3A_5 to %scan3A_7 step %scan3A_8  : i32 {
      %mul3A_12 = arith.constant 128 : i32
      %mul3A_13 = arith.muli %scan3A_11, %mul3A_12 : i32
      %add3A_14 = arith.addi %mul3A_4, %mul3A_13 : i32
      "tpu.region"() ({
        %run_scoped3A = tpu.sem_alloc : memref<!tpu.dma_semaphore, #tpu.memory_space<semaphore_mem>>
        %dma_start3A = tpu.memref_slice %arg2[%add3A_14] : memref<327680xi32, #tpu.memory_space<hbm>> -> memref<128xi32, #tpu.memory_space<hbm>>
        %dma_start3A_15 = tpu.memref_slice %arg2[%add3A_14] : memref<327680xi32, #tpu.memory_space<hbm>> -> memref<128xi32, #tpu.memory_space<hbm>>
        tpu.enqueue_dma source(%dma_start3A_15 : memref<128xi32, #tpu.memory_space<hbm>>) target(%arg6 : memref<128xi32, #tpu.memory_space<vmem>>) target_semaphore(%run_scoped3A : memref<!tpu.dma_semaphore, #tpu.memory_space<semaphore_mem>>)
        %dma_wait3A = tpu.memref_slice %arg2[%add3A_14] : memref<327680xi32, #tpu.memory_space<hbm>> -> memref<128xi32, #tpu.memory_space<hbm>>
        %dma_wait3A_16 = tpu.memref_slice %arg2[%add3A_14] : memref<327680xi32, #tpu.memory_space<hbm>> -> memref<128xi32, #tpu.memory_space<hbm>>
        tpu.wait_dma2 semaphore(%run_scoped3A : memref<!tpu.dma_semaphore, #tpu.memory_space<semaphore_mem>>) src(%dma_wait3A_16 : memref<128xi32, #tpu.memory_space<hbm>>) dst(%arg6 : memref<128xi32, #tpu.memory_space<vmem>>)
        tpu.yield
      }) : () -> ()
      "tpu.region"() ({
        %run_scoped3A = tpu.sem_alloc : memref<!tpu.dma_semaphore, #tpu.memory_space<semaphore_mem>>
        %dma_start3A = arith.constant 0 : i32
        %dma_start3A_15 = tpu.memref_slice %arg8[%dma_start3A] : memref<10240xf32, #tpu.memory_space<vmem_shared>> -> memref<10240xf32, #tpu.memory_space<vmem_shared>>
        tpu.enqueue_indirect_dma source(%arg7 : memref<128xf32, #tpu.memory_space<vmem>>) target(%dma_start3A_15 : memref<10240xf32, #tpu.memory_space<vmem_shared>>) offsets(%arg6 : memref<128xi32, #tpu.memory_space<vmem>>) semaphore(%run_scoped3A : memref<!tpu.dma_semaphore, #tpu.memory_space<semaphore_mem>>) {add = true}
        %dma_wait3A = arith.constant 0 : i32
        %dma_wait3A_16 = tpu.memref_slice %arg8[%dma_wait3A] : memref<10240xf32, #tpu.memory_space<vmem_shared>> -> memref<10240xf32, #tpu.memory_space<vmem_shared>>
        tpu.wait_indirect_dma semaphore(%run_scoped3A : memref<!tpu.dma_semaphore, #tpu.memory_space<semaphore_mem>>) src(%arg7 : memref<128xf32, #tpu.memory_space<vmem>>) dst(%dma_wait3A_16 : memref<10240xf32, #tpu.memory_space<vmem_shared>>)
        tpu.yield
      }) : () -> ()
    }
    %scan3A_9 = arith.constant 80 : i32
    %barrier3A_10 = arith.constant 0 : index
    tpu.barrier barrier_id(%barrier3A_10)
    "tpu.region"() ({
      %run_scoped3A = tpu.sem_alloc : memref<!tpu.dma_semaphore, #tpu.memory_space<semaphore_mem>>
      %dma_start3A = tpu.memref_slice %arg5[%arg0, %mul3A_2] : memref<2x10240xf32, #tpu.memory_space<hbm>> -> memref<1x640xf32, #tpu.memory_space<hbm>>
      %dma_start3A_11 = tpu.memref_squeeze %dma_start3A : memref<1x640xf32, #tpu.memory_space<hbm>> -> memref<640xf32, #tpu.memory_space<hbm>>
      %dma_start3A_12 = tpu.memref_slice %arg8[%mul3A_2] : memref<10240xf32, #tpu.memory_space<vmem_shared>> -> memref<640xf32, #tpu.memory_space<vmem_shared>>
      tpu.enqueue_dma source(%dma_start3A_12 : memref<640xf32, #tpu.memory_space<vmem_shared>>) target(%dma_start3A_11 : memref<640xf32, #tpu.memory_space<hbm>>) target_semaphore(%run_scoped3A : memref<!tpu.dma_semaphore, #tpu.memory_space<semaphore_mem>>)
      %dma_wait3A = tpu.memref_slice %arg5[%arg0, %mul3A_2] : memref<2x10240xf32, #tpu.memory_space<hbm>> -> memref<1x640xf32, #tpu.memory_space<hbm>>
      %dma_wait3A_13 = tpu.memref_squeeze %dma_wait3A : memref<1x640xf32, #tpu.memory_space<hbm>> -> memref<640xf32, #tpu.memory_space<hbm>>
      %dma_wait3A_14 = tpu.memref_slice %arg8[%mul3A_2] : memref<10240xf32, #tpu.memory_space<vmem_shared>> -> memref<640xf32, #tpu.memory_space<vmem_shared>>
      tpu.wait_dma2 semaphore(%run_scoped3A : memref<!tpu.dma_semaphore, #tpu.memory_space<semaphore_mem>>) src(%dma_wait3A_14 : memref<640xf32, #tpu.memory_space<vmem_shared>>) dst(%dma_wait3A_13 : memref<640xf32, #tpu.memory_space<hbm>>)
      tpu.yield
    }) : () -> ()
    return
  }
}

#map = affine_map<(d0, d1) -> (0)>
#map1 = affine_map<(d0, d1) -> (0, 0)>
#map2 = affine_map<(d0, d1) -> (0, 0, 0)>
module attributes {stable_mosaic.version = 14 : i64} {
  func.func @agg(%arg0: i32, %arg1: i32, %arg2: memref<327680xi32, #tpu.memory_space<hbm>>, %arg3: memref<327680xi32, #tpu.memory_space<hbm>>, %arg4: memref<10240x128xf32, #tpu.memory_space<hbm>>, %arg5: memref<10240x128xf32, #tpu.memory_space<hbm>>, %arg6: memref<2x10240x128xf32, #tpu.memory_space<hbm>>, %arg7: memref<128xi32, #tpu.memory_space<vmem>>, %arg8: memref<128xi32, #tpu.memory_space<vmem>>, %arg9: memref<128x128xf32, #tpu.memory_space<vmem>>, %arg10: memref<10240x128xf32, #tpu.memory_space<vmem_shared>>, %arg11: memref<!tpu.dma_semaphore, #tpu.memory_space<semaphore_mem>>) attributes {dimension_semantics = [#tpu.dimension_semantics<core_parallel>, #tpu.dimension_semantics<subcore_parallel>], iteration_bounds = array<i64: 2, 16>, scalar_prefetch = 0 : i64, scratch_operands = 5 : i64, tpu.core_type = #tpu.core_type<sc_vector_subcore>, window_params = [{transform_indices = #map}, {transform_indices = #map}, {transform_indices = #map1}, {transform_indices = #map1}, {transform_indices = #map2}]} {
    %mul3A = arith.constant 2 : i32
    %mul3A_0 = arith.muli %arg1, %mul3A : i32
    %add3A = arith.addi %mul3A_0, %arg0 : i32
    %mul3A_1 = arith.constant 640 : i32
    %mul3A_2 = arith.muli %arg1, %mul3A_1 : i32
    "tpu.region"() ({
      %run_scoped3A = tpu.sem_alloc : memref<!tpu.dma_semaphore, #tpu.memory_space<semaphore_mem>>
      %dma_start3A = arith.constant 0 : i32
      %dma_start3A_11 = tpu.memref_slice %arg10[%mul3A_2, %dma_start3A] : memref<10240x128xf32, #tpu.memory_space<vmem_shared>> -> memref<640x128xf32, #tpu.memory_space<vmem_shared>>
      %dma_start3A_12 = arith.constant 0 : i32
      %dma_start3A_13 = tpu.memref_slice %arg5[%mul3A_2, %dma_start3A_12] : memref<10240x128xf32, #tpu.memory_space<hbm>> -> memref<640x128xf32, #tpu.memory_space<hbm>>
      tpu.enqueue_dma source(%dma_start3A_13 : memref<640x128xf32, #tpu.memory_space<hbm>>) target(%dma_start3A_11 : memref<640x128xf32, #tpu.memory_space<vmem_shared>>) target_semaphore(%run_scoped3A : memref<!tpu.dma_semaphore, #tpu.memory_space<semaphore_mem>>)
      %dma_wait3A = arith.constant 0 : i32
      %dma_wait3A_14 = tpu.memref_slice %arg10[%mul3A_2, %dma_wait3A] : memref<10240x128xf32, #tpu.memory_space<vmem_shared>> -> memref<640x128xf32, #tpu.memory_space<vmem_shared>>
      %dma_wait3A_15 = arith.constant 0 : i32
      %dma_wait3A_16 = tpu.memref_slice %arg5[%mul3A_2, %dma_wait3A_15] : memref<10240x128xf32, #tpu.memory_space<hbm>> -> memref<640x128xf32, #tpu.memory_space<hbm>>
      tpu.wait_dma2 semaphore(%run_scoped3A : memref<!tpu.dma_semaphore, #tpu.memory_space<semaphore_mem>>) src(%dma_wait3A_16 : memref<640x128xf32, #tpu.memory_space<hbm>>) dst(%dma_wait3A_14 : memref<640x128xf32, #tpu.memory_space<vmem_shared>>)
      tpu.yield
    }) : () -> ()
    %barrier3A = arith.constant 0 : index
    tpu.barrier barrier_id(%barrier3A)
    %mul3A_3 = arith.constant 10240 : i32
    %mul3A_4 = arith.muli %add3A, %mul3A_3 : i32
    %scan3A = arith.constant 0 : i32
    %scan3A_5 = arith.constant 0 : i32
    %scan3A_6 = arith.constant 80 : i32
    %scan3A_7 = arith.addi %scan3A_5, %scan3A_6 : i32
    %scan3A_8 = arith.constant 1 : i32
    scf.for %scan3A_11 = %scan3A_5 to %scan3A_7 step %scan3A_8  : i32 {
      %mul3A_12 = arith.constant 128 : i32
      %mul3A_13 = arith.muli %scan3A_11, %mul3A_12 : i32
      %add3A_14 = arith.addi %mul3A_4, %mul3A_13 : i32
      "tpu.region"() ({
        %run_scoped3A = tpu.sem_alloc : memref<!tpu.dma_semaphore, #tpu.memory_space<semaphore_mem>>
        %dma_start3A_19 = tpu.memref_slice %arg2[%add3A_14] : memref<327680xi32, #tpu.memory_space<hbm>> -> memref<128xi32, #tpu.memory_space<hbm>>
        %dma_start3A_20 = tpu.memref_slice %arg2[%add3A_14] : memref<327680xi32, #tpu.memory_space<hbm>> -> memref<128xi32, #tpu.memory_space<hbm>>
        tpu.enqueue_dma source(%dma_start3A_20 : memref<128xi32, #tpu.memory_space<hbm>>) target(%arg7 : memref<128xi32, #tpu.memory_space<vmem>>) target_semaphore(%run_scoped3A : memref<!tpu.dma_semaphore, #tpu.memory_space<semaphore_mem>>)
        %dma_wait3A_21 = tpu.memref_slice %arg2[%add3A_14] : memref<327680xi32, #tpu.memory_space<hbm>> -> memref<128xi32, #tpu.memory_space<hbm>>
        %dma_wait3A_22 = tpu.memref_slice %arg2[%add3A_14] : memref<327680xi32, #tpu.memory_space<hbm>> -> memref<128xi32, #tpu.memory_space<hbm>>
        tpu.wait_dma2 semaphore(%run_scoped3A : memref<!tpu.dma_semaphore, #tpu.memory_space<semaphore_mem>>) src(%dma_wait3A_22 : memref<128xi32, #tpu.memory_space<hbm>>) dst(%arg7 : memref<128xi32, #tpu.memory_space<vmem>>)
        tpu.yield
      }) : () -> ()
      "tpu.region"() ({
        %run_scoped3A = tpu.sem_alloc : memref<!tpu.dma_semaphore, #tpu.memory_space<semaphore_mem>>
        %dma_start3A_19 = tpu.memref_slice %arg3[%add3A_14] : memref<327680xi32, #tpu.memory_space<hbm>> -> memref<128xi32, #tpu.memory_space<hbm>>
        %dma_start3A_20 = tpu.memref_slice %arg3[%add3A_14] : memref<327680xi32, #tpu.memory_space<hbm>> -> memref<128xi32, #tpu.memory_space<hbm>>
        tpu.enqueue_dma source(%dma_start3A_20 : memref<128xi32, #tpu.memory_space<hbm>>) target(%arg8 : memref<128xi32, #tpu.memory_space<vmem>>) target_semaphore(%run_scoped3A : memref<!tpu.dma_semaphore, #tpu.memory_space<semaphore_mem>>)
        %dma_wait3A_21 = tpu.memref_slice %arg3[%add3A_14] : memref<327680xi32, #tpu.memory_space<hbm>> -> memref<128xi32, #tpu.memory_space<hbm>>
        %dma_wait3A_22 = tpu.memref_slice %arg3[%add3A_14] : memref<327680xi32, #tpu.memory_space<hbm>> -> memref<128xi32, #tpu.memory_space<hbm>>
        tpu.wait_dma2 semaphore(%run_scoped3A : memref<!tpu.dma_semaphore, #tpu.memory_space<semaphore_mem>>) src(%dma_wait3A_22 : memref<128xi32, #tpu.memory_space<hbm>>) dst(%arg8 : memref<128xi32, #tpu.memory_space<vmem>>)
        tpu.yield
      }) : () -> ()
      %dma_start3A = arith.constant 0 : i32
      %dma_start3A_15 = arith.constant 0 : i32
      %dma_start3A_16 = tpu.memref_slice %arg4[%dma_start3A, %dma_start3A_15] : memref<10240x128xf32, #tpu.memory_space<hbm>> -> memref<10240x128xf32, #tpu.memory_space<hbm>>
      tpu.enqueue_indirect_dma source(%dma_start3A_16 : memref<10240x128xf32, #tpu.memory_space<hbm>>) target(%arg9 : memref<128x128xf32, #tpu.memory_space<vmem>>) offsets(%arg7 : memref<128xi32, #tpu.memory_space<vmem>>) semaphore(%arg11 : memref<!tpu.dma_semaphore, #tpu.memory_space<semaphore_mem>>)
      %dma_wait3A = arith.constant 0 : i32
      %dma_wait3A_17 = arith.constant 0 : i32
      %dma_wait3A_18 = tpu.memref_slice %arg4[%dma_wait3A, %dma_wait3A_17] : memref<10240x128xf32, #tpu.memory_space<hbm>> -> memref<10240x128xf32, #tpu.memory_space<hbm>>
      tpu.wait_indirect_dma semaphore(%arg11 : memref<!tpu.dma_semaphore, #tpu.memory_space<semaphore_mem>>) src(%dma_wait3A_18 : memref<10240x128xf32, #tpu.memory_space<hbm>>) dst(%arg9 : memref<128x128xf32, #tpu.memory_space<vmem>>)
      "tpu.region"() ({
        %run_scoped3A = tpu.sem_alloc : memref<!tpu.dma_semaphore, #tpu.memory_space<semaphore_mem>>
        %dma_start3A_19 = arith.constant 0 : i32
        %dma_start3A_20 = arith.constant 0 : i32
        %dma_start3A_21 = tpu.memref_slice %arg10[%dma_start3A_19, %dma_start3A_20] : memref<10240x128xf32, #tpu.memory_space<vmem_shared>> -> memref<10240x128xf32, #tpu.memory_space<vmem_shared>>
        tpu.enqueue_indirect_dma source(%arg9 : memref<128x128xf32, #tpu.memory_space<vmem>>) target(%dma_start3A_21 : memref<10240x128xf32, #tpu.memory_space<vmem_shared>>) offsets(%arg8 : memref<128xi32, #tpu.memory_space<vmem>>) semaphore(%run_scoped3A : memref<!tpu.dma_semaphore, #tpu.memory_space<semaphore_mem>>) {add = true}
        %dma_wait3A_22 = arith.constant 0 : i32
        %dma_wait3A_23 = arith.constant 0 : i32
        %dma_wait3A_24 = tpu.memref_slice %arg10[%dma_wait3A_22, %dma_wait3A_23] : memref<10240x128xf32, #tpu.memory_space<vmem_shared>> -> memref<10240x128xf32, #tpu.memory_space<vmem_shared>>
        tpu.wait_indirect_dma semaphore(%run_scoped3A : memref<!tpu.dma_semaphore, #tpu.memory_space<semaphore_mem>>) src(%arg9 : memref<128x128xf32, #tpu.memory_space<vmem>>) dst(%dma_wait3A_24 : memref<10240x128xf32, #tpu.memory_space<vmem_shared>>)
        tpu.yield
      }) : () -> ()
    }
    %scan3A_9 = arith.constant 80 : i32
    %barrier3A_10 = arith.constant 0 : index
    tpu.barrier barrier_id(%barrier3A_10)
    "tpu.region"() ({
      %run_scoped3A = tpu.sem_alloc : memref<!tpu.dma_semaphore, #tpu.memory_space<semaphore_mem>>
      %dma_start3A = arith.constant 0 : i32
      %dma_start3A_11 = tpu.memref_slice %arg6[%arg0, %mul3A_2, %dma_start3A] : memref<2x10240x128xf32, #tpu.memory_space<hbm>> -> memref<1x640x128xf32, #tpu.memory_space<hbm>>
      %dma_start3A_12 = tpu.memref_squeeze %dma_start3A_11 : memref<1x640x128xf32, #tpu.memory_space<hbm>> -> memref<640x128xf32, #tpu.memory_space<hbm>>
      %dma_start3A_13 = arith.constant 0 : i32
      %dma_start3A_14 = tpu.memref_slice %arg10[%mul3A_2, %dma_start3A_13] : memref<10240x128xf32, #tpu.memory_space<vmem_shared>> -> memref<640x128xf32, #tpu.memory_space<vmem_shared>>
      tpu.enqueue_dma source(%dma_start3A_14 : memref<640x128xf32, #tpu.memory_space<vmem_shared>>) target(%dma_start3A_12 : memref<640x128xf32, #tpu.memory_space<hbm>>) target_semaphore(%run_scoped3A : memref<!tpu.dma_semaphore, #tpu.memory_space<semaphore_mem>>)
      %dma_wait3A = arith.constant 0 : i32
      %dma_wait3A_15 = tpu.memref_slice %arg6[%arg0, %mul3A_2, %dma_wait3A] : memref<2x10240x128xf32, #tpu.memory_space<hbm>> -> memref<1x640x128xf32, #tpu.memory_space<hbm>>
      %dma_wait3A_16 = tpu.memref_squeeze %dma_wait3A_15 : memref<1x640x128xf32, #tpu.memory_space<hbm>> -> memref<640x128xf32, #tpu.memory_space<hbm>>
      %dma_wait3A_17 = arith.constant 0 : i32
      %dma_wait3A_18 = tpu.memref_slice %arg10[%mul3A_2, %dma_wait3A_17] : memref<10240x128xf32, #tpu.memory_space<vmem_shared>> -> memref<640x128xf32, #tpu.memory_space<vmem_shared>>
      tpu.wait_dma2 semaphore(%run_scoped3A : memref<!tpu.dma_semaphore, #tpu.memory_space<semaphore_mem>>) src(%dma_wait3A_18 : memref<640x128xf32, #tpu.memory_space<vmem_shared>>) dst(%dma_wait3A_16 : memref<640x128xf32, #tpu.memory_space<hbm>>)
      tpu.yield
    }) : () -> ()
    return
  }
}

#map = affine_map<(d0, d1) -> (0)>
#map1 = affine_map<(d0, d1) -> (0, 0)>
#map2 = affine_map<(d0, d1) -> (0, 0, 0)>
module attributes {stable_mosaic.version = 14 : i64} {
  func.func @agg(%arg0: i32, %arg1: i32, %arg2: memref<327680xi32, #tpu.memory_space<hbm>>, %arg3: memref<327680xi32, #tpu.memory_space<hbm>>, %arg4: memref<10240x64xf32, #tpu.memory_space<hbm>>, %arg5: memref<10240x64xf32, #tpu.memory_space<hbm>>, %arg6: memref<2x10240x64xf32, #tpu.memory_space<hbm>>, %arg7: memref<128xi32, #tpu.memory_space<vmem>>, %arg8: memref<128xi32, #tpu.memory_space<vmem>>, %arg9: memref<128x64xf32, #tpu.memory_space<vmem>>, %arg10: memref<10240x64xf32, #tpu.memory_space<vmem_shared>>, %arg11: memref<!tpu.dma_semaphore, #tpu.memory_space<semaphore_mem>>) attributes {dimension_semantics = [#tpu.dimension_semantics<core_parallel>, #tpu.dimension_semantics<subcore_parallel>], iteration_bounds = array<i64: 2, 16>, scalar_prefetch = 0 : i64, scratch_operands = 5 : i64, tpu.core_type = #tpu.core_type<sc_vector_subcore>, window_params = [{transform_indices = #map}, {transform_indices = #map}, {transform_indices = #map1}, {transform_indices = #map1}, {transform_indices = #map2}]} {
    %mul3A = arith.constant 2 : i32
    %mul3A_0 = arith.muli %arg1, %mul3A : i32
    %add3A = arith.addi %mul3A_0, %arg0 : i32
    %mul3A_1 = arith.constant 640 : i32
    %mul3A_2 = arith.muli %arg1, %mul3A_1 : i32
    "tpu.region"() ({
      %run_scoped3A = tpu.sem_alloc : memref<!tpu.dma_semaphore, #tpu.memory_space<semaphore_mem>>
      %dma_start3A = arith.constant 0 : i32
      %dma_start3A_11 = tpu.memref_slice %arg10[%mul3A_2, %dma_start3A] : memref<10240x64xf32, #tpu.memory_space<vmem_shared>> -> memref<640x64xf32, #tpu.memory_space<vmem_shared>>
      %dma_start3A_12 = arith.constant 0 : i32
      %dma_start3A_13 = tpu.memref_slice %arg5[%mul3A_2, %dma_start3A_12] : memref<10240x64xf32, #tpu.memory_space<hbm>> -> memref<640x64xf32, #tpu.memory_space<hbm>>
      tpu.enqueue_dma source(%dma_start3A_13 : memref<640x64xf32, #tpu.memory_space<hbm>>) target(%dma_start3A_11 : memref<640x64xf32, #tpu.memory_space<vmem_shared>>) target_semaphore(%run_scoped3A : memref<!tpu.dma_semaphore, #tpu.memory_space<semaphore_mem>>)
      %dma_wait3A = arith.constant 0 : i32
      %dma_wait3A_14 = tpu.memref_slice %arg10[%mul3A_2, %dma_wait3A] : memref<10240x64xf32, #tpu.memory_space<vmem_shared>> -> memref<640x64xf32, #tpu.memory_space<vmem_shared>>
      %dma_wait3A_15 = arith.constant 0 : i32
      %dma_wait3A_16 = tpu.memref_slice %arg5[%mul3A_2, %dma_wait3A_15] : memref<10240x64xf32, #tpu.memory_space<hbm>> -> memref<640x64xf32, #tpu.memory_space<hbm>>
      tpu.wait_dma2 semaphore(%run_scoped3A : memref<!tpu.dma_semaphore, #tpu.memory_space<semaphore_mem>>) src(%dma_wait3A_16 : memref<640x64xf32, #tpu.memory_space<hbm>>) dst(%dma_wait3A_14 : memref<640x64xf32, #tpu.memory_space<vmem_shared>>)
      tpu.yield
    }) : () -> ()
    %barrier3A = arith.constant 0 : index
    tpu.barrier barrier_id(%barrier3A)
    %mul3A_3 = arith.constant 10240 : i32
    %mul3A_4 = arith.muli %add3A, %mul3A_3 : i32
    %scan3A = arith.constant 0 : i32
    %scan3A_5 = arith.constant 0 : i32
    %scan3A_6 = arith.constant 80 : i32
    %scan3A_7 = arith.addi %scan3A_5, %scan3A_6 : i32
    %scan3A_8 = arith.constant 1 : i32
    scf.for %scan3A_11 = %scan3A_5 to %scan3A_7 step %scan3A_8  : i32 {
      %mul3A_12 = arith.constant 128 : i32
      %mul3A_13 = arith.muli %scan3A_11, %mul3A_12 : i32
      %add3A_14 = arith.addi %mul3A_4, %mul3A_13 : i32
      "tpu.region"() ({
        %run_scoped3A = tpu.sem_alloc : memref<!tpu.dma_semaphore, #tpu.memory_space<semaphore_mem>>
        %dma_start3A_19 = tpu.memref_slice %arg2[%add3A_14] : memref<327680xi32, #tpu.memory_space<hbm>> -> memref<128xi32, #tpu.memory_space<hbm>>
        %dma_start3A_20 = tpu.memref_slice %arg2[%add3A_14] : memref<327680xi32, #tpu.memory_space<hbm>> -> memref<128xi32, #tpu.memory_space<hbm>>
        tpu.enqueue_dma source(%dma_start3A_20 : memref<128xi32, #tpu.memory_space<hbm>>) target(%arg7 : memref<128xi32, #tpu.memory_space<vmem>>) target_semaphore(%run_scoped3A : memref<!tpu.dma_semaphore, #tpu.memory_space<semaphore_mem>>)
        %dma_wait3A_21 = tpu.memref_slice %arg2[%add3A_14] : memref<327680xi32, #tpu.memory_space<hbm>> -> memref<128xi32, #tpu.memory_space<hbm>>
        %dma_wait3A_22 = tpu.memref_slice %arg2[%add3A_14] : memref<327680xi32, #tpu.memory_space<hbm>> -> memref<128xi32, #tpu.memory_space<hbm>>
        tpu.wait_dma2 semaphore(%run_scoped3A : memref<!tpu.dma_semaphore, #tpu.memory_space<semaphore_mem>>) src(%dma_wait3A_22 : memref<128xi32, #tpu.memory_space<hbm>>) dst(%arg7 : memref<128xi32, #tpu.memory_space<vmem>>)
        tpu.yield
      }) : () -> ()
      "tpu.region"() ({
        %run_scoped3A = tpu.sem_alloc : memref<!tpu.dma_semaphore, #tpu.memory_space<semaphore_mem>>
        %dma_start3A_19 = tpu.memref_slice %arg3[%add3A_14] : memref<327680xi32, #tpu.memory_space<hbm>> -> memref<128xi32, #tpu.memory_space<hbm>>
        %dma_start3A_20 = tpu.memref_slice %arg3[%add3A_14] : memref<327680xi32, #tpu.memory_space<hbm>> -> memref<128xi32, #tpu.memory_space<hbm>>
        tpu.enqueue_dma source(%dma_start3A_20 : memref<128xi32, #tpu.memory_space<hbm>>) target(%arg8 : memref<128xi32, #tpu.memory_space<vmem>>) target_semaphore(%run_scoped3A : memref<!tpu.dma_semaphore, #tpu.memory_space<semaphore_mem>>)
        %dma_wait3A_21 = tpu.memref_slice %arg3[%add3A_14] : memref<327680xi32, #tpu.memory_space<hbm>> -> memref<128xi32, #tpu.memory_space<hbm>>
        %dma_wait3A_22 = tpu.memref_slice %arg3[%add3A_14] : memref<327680xi32, #tpu.memory_space<hbm>> -> memref<128xi32, #tpu.memory_space<hbm>>
        tpu.wait_dma2 semaphore(%run_scoped3A : memref<!tpu.dma_semaphore, #tpu.memory_space<semaphore_mem>>) src(%dma_wait3A_22 : memref<128xi32, #tpu.memory_space<hbm>>) dst(%arg8 : memref<128xi32, #tpu.memory_space<vmem>>)
        tpu.yield
      }) : () -> ()
      %dma_start3A = arith.constant 0 : i32
      %dma_start3A_15 = arith.constant 0 : i32
      %dma_start3A_16 = tpu.memref_slice %arg4[%dma_start3A, %dma_start3A_15] : memref<10240x64xf32, #tpu.memory_space<hbm>> -> memref<10240x64xf32, #tpu.memory_space<hbm>>
      tpu.enqueue_indirect_dma source(%dma_start3A_16 : memref<10240x64xf32, #tpu.memory_space<hbm>>) target(%arg9 : memref<128x64xf32, #tpu.memory_space<vmem>>) offsets(%arg7 : memref<128xi32, #tpu.memory_space<vmem>>) semaphore(%arg11 : memref<!tpu.dma_semaphore, #tpu.memory_space<semaphore_mem>>)
      %dma_wait3A = arith.constant 0 : i32
      %dma_wait3A_17 = arith.constant 0 : i32
      %dma_wait3A_18 = tpu.memref_slice %arg4[%dma_wait3A, %dma_wait3A_17] : memref<10240x64xf32, #tpu.memory_space<hbm>> -> memref<10240x64xf32, #tpu.memory_space<hbm>>
      tpu.wait_indirect_dma semaphore(%arg11 : memref<!tpu.dma_semaphore, #tpu.memory_space<semaphore_mem>>) src(%dma_wait3A_18 : memref<10240x64xf32, #tpu.memory_space<hbm>>) dst(%arg9 : memref<128x64xf32, #tpu.memory_space<vmem>>)
      "tpu.region"() ({
        %run_scoped3A = tpu.sem_alloc : memref<!tpu.dma_semaphore, #tpu.memory_space<semaphore_mem>>
        %dma_start3A_19 = arith.constant 0 : i32
        %dma_start3A_20 = arith.constant 0 : i32
        %dma_start3A_21 = tpu.memref_slice %arg10[%dma_start3A_19, %dma_start3A_20] : memref<10240x64xf32, #tpu.memory_space<vmem_shared>> -> memref<10240x64xf32, #tpu.memory_space<vmem_shared>>
        tpu.enqueue_indirect_dma source(%arg9 : memref<128x64xf32, #tpu.memory_space<vmem>>) target(%dma_start3A_21 : memref<10240x64xf32, #tpu.memory_space<vmem_shared>>) offsets(%arg8 : memref<128xi32, #tpu.memory_space<vmem>>) semaphore(%run_scoped3A : memref<!tpu.dma_semaphore, #tpu.memory_space<semaphore_mem>>) {add = true}
        %dma_wait3A_22 = arith.constant 0 : i32
        %dma_wait3A_23 = arith.constant 0 : i32
        %dma_wait3A_24 = tpu.memref_slice %arg10[%dma_wait3A_22, %dma_wait3A_23] : memref<10240x64xf32, #tpu.memory_space<vmem_shared>> -> memref<10240x64xf32, #tpu.memory_space<vmem_shared>>
        tpu.wait_indirect_dma semaphore(%run_scoped3A : memref<!tpu.dma_semaphore, #tpu.memory_space<semaphore_mem>>) src(%arg9 : memref<128x64xf32, #tpu.memory_space<vmem>>) dst(%dma_wait3A_24 : memref<10240x64xf32, #tpu.memory_space<vmem_shared>>)
        tpu.yield
      }) : () -> ()
    }
    %scan3A_9 = arith.constant 80 : i32
    %barrier3A_10 = arith.constant 0 : index
    tpu.barrier barrier_id(%barrier3A_10)
    "tpu.region"() ({
      %run_scoped3A = tpu.sem_alloc : memref<!tpu.dma_semaphore, #tpu.memory_space<semaphore_mem>>
      %dma_start3A = arith.constant 0 : i32
      %dma_start3A_11 = tpu.memref_slice %arg6[%arg0, %mul3A_2, %dma_start3A] : memref<2x10240x64xf32, #tpu.memory_space<hbm>> -> memref<1x640x64xf32, #tpu.memory_space<hbm>>
      %dma_start3A_12 = tpu.memref_squeeze %dma_start3A_11 : memref<1x640x64xf32, #tpu.memory_space<hbm>> -> memref<640x64xf32, #tpu.memory_space<hbm>>
      %dma_start3A_13 = arith.constant 0 : i32
      %dma_start3A_14 = tpu.memref_slice %arg10[%mul3A_2, %dma_start3A_13] : memref<10240x64xf32, #tpu.memory_space<vmem_shared>> -> memref<640x64xf32, #tpu.memory_space<vmem_shared>>
      tpu.enqueue_dma source(%dma_start3A_14 : memref<640x64xf32, #tpu.memory_space<vmem_shared>>) target(%dma_start3A_12 : memref<640x64xf32, #tpu.memory_space<hbm>>) target_semaphore(%run_scoped3A : memref<!tpu.dma_semaphore, #tpu.memory_space<semaphore_mem>>)
      %dma_wait3A = arith.constant 0 : i32
      %dma_wait3A_15 = tpu.memref_slice %arg6[%arg0, %mul3A_2, %dma_wait3A] : memref<2x10240x64xf32, #tpu.memory_space<hbm>> -> memref<1x640x64xf32, #tpu.memory_space<hbm>>
      %dma_wait3A_16 = tpu.memref_squeeze %dma_wait3A_15 : memref<1x640x64xf32, #tpu.memory_space<hbm>> -> memref<640x64xf32, #tpu.memory_space<hbm>>
      %dma_wait3A_17 = arith.constant 0 : i32
      %dma_wait3A_18 = tpu.memref_slice %arg10[%mul3A_2, %dma_wait3A_17] : memref<10240x64xf32, #tpu.memory_space<vmem_shared>> -> memref<640x64xf32, #tpu.memory_space<vmem_shared>>
      tpu.wait_dma2 semaphore(%run_scoped3A : memref<!tpu.dma_semaphore, #tpu.memory_space<semaphore_mem>>) src(%dma_wait3A_18 : memref<640x64xf32, #tpu.memory_space<vmem_shared>>) dst(%dma_wait3A_16 : memref<640x64xf32, #tpu.memory_space<hbm>>)
      tpu.yield
    }) : () -> ()
    return
  }
}

module attributes {stable_mosaic.version = 14 : i64} {
  func.func @body(%arg0: i32, %arg1: memref<1024x128xf32, #tpu.memory_space<vmem>>, %arg2: memref<1024x128xf32, #tpu.memory_space<vmem>>, %arg3: memref<128x128xf32, #tpu.memory_space<vmem>>, %arg4: memref<1024x128xf32, #tpu.memory_space<vmem>>) attributes {dimension_semantics = [#tpu.dimension_semantics<arbitrary>], iteration_bounds = array<i64: 10>, scalar_prefetch = 0 : i64, scratch_operands = 0 : i64, tpu.core_type = #tpu.core_type<tc>, window_params = [{transform_indices = @transform_0, window_bounds = array<i64: 1024, 128>}, {transform_indices = @transform_1, window_bounds = array<i64: 1024, 128>}, {pipeline_mode = #tpu.pipeline_mode<synchronous>, transform_indices = @transform_2, window_bounds = array<i64: 128, 128>}, {transform_indices = @transform_3, window_bounds = array<i64: 1024, 128>}]} {
    %get3A = arith.constant 0 : index
    %get3A_0 = arith.constant 0 : index
    %get3A_1 = vector.load %arg1[%get3A, %get3A_0] : memref<1024x128xf32, #tpu.memory_space<vmem>>, vector<1024x128xf32>
    %get3A_2 = arith.constant 0 : index
    %get3A_3 = arith.constant 0 : index
    %get3A_4 = vector.load %arg2[%get3A_2, %get3A_3] : memref<1024x128xf32, #tpu.memory_space<vmem>>, vector<1024x128xf32>
    %mul3A = arith.mulf %get3A_1, %get3A_4 : vector<1024x128xf32>
    %get3A_5 = arith.constant 0 : index
    %get3A_6 = arith.constant 0 : index
    %get3A_7 = vector.load %arg3[%get3A_5, %get3A_6] : memref<128x128xf32, #tpu.memory_space<vmem>>, vector<128x128xf32>
    %dot_general3A = arith.constant dense<0.000000e+00> : vector<1024x128xf32>
    %dot_general3A_8 = tpu.matmul %mul3A, %get3A_7, %dot_general3A {dimension_numbers = #tpu.dot_dimension_numbers<[1], [0], [0], [1], [0, 0, 1, 1], [], []>, transpose_lhs_hint = false} : vector<1024x128xf32>, vector<128x128xf32>, vector<1024x128xf32> -> vector<1024x128xf32>
    %swap3A = arith.constant 0 : index
    %swap3A_9 = arith.constant 0 : index
    %swap3A_10 = vector.load %arg4[%swap3A, %swap3A_9] : memref<1024x128xf32, #tpu.memory_space<vmem>>, vector<1024x128xf32>
    tpu.vector_store %arg4[%swap3A, %swap3A_9], %dot_general3A_8 {strides = array<i32>} : memref<1024x128xf32, #tpu.memory_space<vmem>>, vector<1024x128xf32>,
    return
  }
  func.func @transform_0(%arg0: i32) -> (i32, i32) {
    %c0_i32 = arith.constant 0 : i32
    %c0_i32_0 = arith.constant 0 : i32
    return %arg0, %c0_i32 : i32, i32
  }
  func.func @transform_1(%arg0: i32) -> (i32, i32) {
    %c0_i32 = arith.constant 0 : i32
    %c0_i32_0 = arith.constant 0 : i32
    return %arg0, %c0_i32 : i32, i32
  }
  func.func @transform_2(%arg0: i32) -> (i32, i32) {
    %c0_i32 = arith.constant 0 : i32
    %c0_i32_0 = arith.constant 0 : i32
    %c0_i32_1 = arith.constant 0 : i32
    return %c0_i32, %c0_i32_0 : i32, i32
  }
  func.func @transform_3(%arg0: i32) -> (i32, i32) {
    %c0_i32 = arith.constant 0 : i32
    %c0_i32_0 = arith.constant 0 : i32
    return %arg0, %c0_i32 : i32, i32
  }
}

module attributes {stable_mosaic.version = 14 : i64} {
  func.func @body(%arg0: i32, %arg1: memref<1024x128xf32, #tpu.memory_space<vmem>>, %arg2: memref<1024x128xf32, #tpu.memory_space<vmem>>, %arg3: memref<1024x128xf32, #tpu.memory_space<vmem>>, %arg4: memref<1024x128xf32, #tpu.memory_space<vmem>>, %arg5: memref<1x128xf32, #tpu.memory_space<vmem>>, %arg6: memref<128x64xf32, #tpu.memory_space<vmem>>, %arg7: memref<1024x128xf32, #tpu.memory_space<vmem>>, %arg8: memref<1024x64xf32, #tpu.memory_space<vmem>>) attributes {dimension_semantics = [#tpu.dimension_semantics<arbitrary>], iteration_bounds = array<i64: 10>, scalar_prefetch = 0 : i64, scratch_operands = 0 : i64, tpu.core_type = #tpu.core_type<tc>, window_params = [{transform_indices = @transform_0, window_bounds = array<i64: 1024, 128>}, {transform_indices = @transform_1, window_bounds = array<i64: 1024, 128>}, {transform_indices = @transform_2, window_bounds = array<i64: 1024, 128>}, {transform_indices = @transform_3, window_bounds = array<i64: 1024, 128>}, {pipeline_mode = #tpu.pipeline_mode<synchronous>, transform_indices = @transform_4, window_bounds = array<i64: 1, 128>}, {pipeline_mode = #tpu.pipeline_mode<synchronous>, transform_indices = @transform_5, window_bounds = array<i64: 128, 64>}, {transform_indices = @transform_6, window_bounds = array<i64: 1024, 128>}, {transform_indices = @transform_7, window_bounds = array<i64: 1024, 64>}]} {
    %get3A = arith.constant 0 : index
    %get3A_0 = arith.constant 0 : index
    %get3A_1 = vector.load %arg1[%get3A, %get3A_0] : memref<1024x128xf32, #tpu.memory_space<vmem>>, vector<1024x128xf32>
    %get3A_2 = arith.constant 0 : index
    %get3A_3 = arith.constant 0 : index
    %get3A_4 = vector.load %arg2[%get3A_2, %get3A_3] : memref<1024x128xf32, #tpu.memory_space<vmem>>, vector<1024x128xf32>
    %add3A = arith.addf %get3A_1, %get3A_4 : vector<1024x128xf32>
    %get3A_5 = arith.constant 0 : index
    %get3A_6 = arith.constant 0 : index
    %get3A_7 = vector.load %arg3[%get3A_5, %get3A_6] : memref<1024x128xf32, #tpu.memory_space<vmem>>, vector<1024x128xf32>
    %add3A_8 = arith.addf %add3A, %get3A_7 : vector<1024x128xf32>
    %get3A_9 = arith.constant 0 : index
    %get3A_10 = arith.constant 0 : index
    %get3A_11 = vector.load %arg4[%get3A_9, %get3A_10] : memref<1024x128xf32, #tpu.memory_space<vmem>>, vector<1024x128xf32>
    %mul3A = arith.mulf %get3A_11, %add3A_8 : vector<1024x128xf32>
    %get3A_12 = arith.constant 0 : index
    %get3A_13 = arith.constant 0 : index
    %get3A_14 = vector.load %arg5[%get3A_12, %get3A_13] : memref<1x128xf32, #tpu.memory_space<vmem>>, vector<1x128xf32>
    %add3A_15 = vector.broadcast %get3A_14 : vector<1x128xf32> to vector<1024x128xf32>
    %add3A_16 = arith.addf %mul3A, %add3A_15 : vector<1024x128xf32>
    %max3A = arith.constant 0.000000e+00 : f32
    %max3A_17 = vector.broadcast %max3A : f32 to vector<1024x128xf32>
    %max3A_18 = arith.maximumf %add3A_16, %max3A_17 : vector<1024x128xf32>
    %swap3A = arith.constant 0 : index
    %swap3A_19 = arith.constant 0 : index
    %swap3A_20 = vector.load %arg7[%swap3A, %swap3A_19] : memref<1024x128xf32, #tpu.memory_space<vmem>>, vector<1024x128xf32>
    tpu.vector_store %arg7[%swap3A, %swap3A_19], %max3A_18 {strides = array<i32>} : memref<1024x128xf32, #tpu.memory_space<vmem>>, vector<1024x128xf32>,
    %get3A_21 = arith.constant 0 : index
    %get3A_22 = arith.constant 0 : index
    %get3A_23 = vector.load %arg4[%get3A_21, %get3A_22] : memref<1024x128xf32, #tpu.memory_space<vmem>>, vector<1024x128xf32>
    %mul3A_24 = arith.mulf %get3A_23, %max3A_18 : vector<1024x128xf32>
    %get3A_25 = arith.constant 0 : index
    %get3A_26 = arith.constant 0 : index
    %get3A_27 = vector.load %arg6[%get3A_25, %get3A_26] : memref<128x64xf32, #tpu.memory_space<vmem>>, vector<128x64xf32>
    %dot_general3A = arith.constant dense<0.000000e+00> : vector<1024x64xf32>
    %dot_general3A_28 = tpu.matmul %mul3A_24, %get3A_27, %dot_general3A {dimension_numbers = #tpu.dot_dimension_numbers<[1], [0], [0], [1], [0, 0, 1, 1], [], []>, transpose_lhs_hint = false} : vector<1024x128xf32>, vector<128x64xf32>, vector<1024x64xf32> -> vector<1024x64xf32>
    %swap3A_29 = arith.constant 0 : index
    %swap3A_30 = arith.constant 0 : index
    %swap3A_31 = vector.load %arg8[%swap3A_29, %swap3A_30] : memref<1024x64xf32, #tpu.memory_space<vmem>>, vector<1024x64xf32>
    tpu.vector_store %arg8[%swap3A_29, %swap3A_30], %dot_general3A_28 {strides = array<i32>} : memref<1024x64xf32, #tpu.memory_space<vmem>>, vector<1024x64xf32>,
    return
  }
  func.func @transform_0(%arg0: i32) -> (i32, i32) {
    %c0_i32 = arith.constant 0 : i32
    %c0_i32_0 = arith.constant 0 : i32
    return %arg0, %c0_i32 : i32, i32
  }
  func.func @transform_1(%arg0: i32) -> (i32, i32) {
    %c0_i32 = arith.constant 0 : i32
    %c0_i32_0 = arith.constant 0 : i32
    return %arg0, %c0_i32 : i32, i32
  }
  func.func @transform_2(%arg0: i32) -> (i32, i32) {
    %c0_i32 = arith.constant 0 : i32
    %c0_i32_0 = arith.constant 0 : i32
    return %arg0, %c0_i32 : i32, i32
  }
  func.func @transform_3(%arg0: i32) -> (i32, i32) {
    %c0_i32 = arith.constant 0 : i32
    %c0_i32_0 = arith.constant 0 : i32
    return %arg0, %c0_i32 : i32, i32
  }
  func.func @transform_4(%arg0: i32) -> (i32, i32) {
    %c0_i32 = arith.constant 0 : i32
    %c0_i32_0 = arith.constant 0 : i32
    %c0_i32_1 = arith.constant 0 : i32
    return %c0_i32, %c0_i32_0 : i32, i32
  }
  func.func @transform_5(%arg0: i32) -> (i32, i32) {
    %c0_i32 = arith.constant 0 : i32
    %c0_i32_0 = arith.constant 0 : i32
    %c0_i32_1 = arith.constant 0 : i32
    return %c0_i32, %c0_i32_0 : i32, i32
  }
  func.func @transform_6(%arg0: i32) -> (i32, i32) {
    %c0_i32 = arith.constant 0 : i32
    %c0_i32_0 = arith.constant 0 : i32
    return %arg0, %c0_i32 : i32, i32
  }
  func.func @transform_7(%arg0: i32) -> (i32, i32) {
    %c0_i32 = arith.constant 0 : i32
    %c0_i32_0 = arith.constant 0 : i32
    return %arg0, %c0_i32 : i32, i32
  }
}

module attributes {stable_mosaic.version = 14 : i64} {
  func.func @body(%arg0: i32, %arg1: memref<1024x64xf32, #tpu.memory_space<vmem>>, %arg2: memref<1024x64xf32, #tpu.memory_space<vmem>>, %arg3: memref<1024x64xf32, #tpu.memory_space<vmem>>, %arg4: memref<1024x128xf32, #tpu.memory_space<vmem>>, %arg5: memref<1x64xf32, #tpu.memory_space<vmem>>, %arg6: memref<1024x64xf32, #tpu.memory_space<vmem>>) attributes {dimension_semantics = [#tpu.dimension_semantics<arbitrary>], iteration_bounds = array<i64: 10>, scalar_prefetch = 0 : i64, scratch_operands = 0 : i64, tpu.core_type = #tpu.core_type<tc>, window_params = [{transform_indices = @transform_0, window_bounds = array<i64: 1024, 64>}, {transform_indices = @transform_1, window_bounds = array<i64: 1024, 64>}, {transform_indices = @transform_2, window_bounds = array<i64: 1024, 64>}, {transform_indices = @transform_3, window_bounds = array<i64: 1024, 128>}, {pipeline_mode = #tpu.pipeline_mode<synchronous>, transform_indices = @transform_4, window_bounds = array<i64: 1, 64>}, {transform_indices = @transform_5, window_bounds = array<i64: 1024, 64>}]} {
    %get3A = arith.constant 0 : index
    %get3A_0 = arith.constant 0 : index
    %get3A_1 = vector.load %arg1[%get3A, %get3A_0] : memref<1024x64xf32, #tpu.memory_space<vmem>>, vector<1024x64xf32>
    %get3A_2 = arith.constant 0 : index
    %get3A_3 = arith.constant 0 : index
    %get3A_4 = vector.load %arg2[%get3A_2, %get3A_3] : memref<1024x64xf32, #tpu.memory_space<vmem>>, vector<1024x64xf32>
    %add3A = arith.addf %get3A_1, %get3A_4 : vector<1024x64xf32>
    %get3A_5 = arith.constant 0 : index
    %get3A_6 = arith.constant 0 : index
    %get3A_7 = vector.load %arg3[%get3A_5, %get3A_6] : memref<1024x64xf32, #tpu.memory_space<vmem>>, vector<1024x64xf32>
    %add3A_8 = arith.addf %add3A, %get3A_7 : vector<1024x64xf32>
    %get3A_9 = arith.constant 0 : index
    %get3A_10 = arith.constant 0 : index
    %get3A_11 = vector.load %arg4[%get3A_9, %get3A_10] : memref<1024x128xf32, #tpu.memory_space<vmem>>, vector<1024x64xf32>
    %mul3A = arith.mulf %get3A_11, %add3A_8 : vector<1024x64xf32>
    %get3A_12 = arith.constant 0 : index
    %get3A_13 = arith.constant 0 : index
    %get3A_14 = vector.load %arg5[%get3A_12, %get3A_13] : memref<1x64xf32, #tpu.memory_space<vmem>>, vector<1x64xf32>
    %add3A_15 = vector.broadcast %get3A_14 : vector<1x64xf32> to vector<1024x64xf32>
    %add3A_16 = arith.addf %mul3A, %add3A_15 : vector<1024x64xf32>
    %swap3A = arith.constant 0 : index
    %swap3A_17 = arith.constant 0 : index
    %swap3A_18 = vector.load %arg6[%swap3A, %swap3A_17] : memref<1024x64xf32, #tpu.memory_space<vmem>>, vector<1024x64xf32>
    tpu.vector_store %arg6[%swap3A, %swap3A_17], %add3A_16 {strides = array<i32>} : memref<1024x64xf32, #tpu.memory_space<vmem>>, vector<1024x64xf32>,
    return
  }
  func.func @transform_0(%arg0: i32) -> (i32, i32) {
    %c0_i32 = arith.constant 0 : i32
    %c0_i32_0 = arith.constant 0 : i32
    return %arg0, %c0_i32 : i32, i32
  }
  func.func @transform_1(%arg0: i32) -> (i32, i32) {
    %c0_i32 = arith.constant 0 : i32
    %c0_i32_0 = arith.constant 0 : i32
    return %arg0, %c0_i32 : i32, i32
  }
  func.func @transform_2(%arg0: i32) -> (i32, i32) {
    %c0_i32 = arith.constant 0 : i32
    %c0_i32_0 = arith.constant 0 : i32
    return %arg0, %c0_i32 : i32, i32
  }
  func.func @transform_3(%arg0: i32) -> (i32, i32) {
    %c0_i32 = arith.constant 0 : i32
    %c0_i32_0 = arith.constant 0 : i32
    return %arg0, %c0_i32 : i32, i32
  }
  func.func @transform_4(%arg0: i32) -> (i32, i32) {
    %c0_i32 = arith.constant 0 : i32
    %c0_i32_0 = arith.constant 0 : i32
    %c0_i32_1 = arith.constant 0 : i32
    return %c0_i32, %c0_i32_0 : i32, i32
  }
  func.func @transform_5(%arg0: i32) -> (i32, i32) {
    %c0_i32 = arith.constant 0 : i32
    %c0_i32_0 = arith.constant 0 : i32
    return %arg0, %c0_i32 : i32, i32
  }
}

</mosaic_0001>

<sc_bundles>
// kernel: kernel.11.cloned.1.call-start
scs
__scs_entry_jumppad:
0x0: {  	(pc) =	sbr.rel $0x88, $3  }
0x1: {  	(tag) =	ssettag $0x0;
	lr =	simm.s32 $0x1  }
0x2: {  	[smem:$0x3F9B] =	sst lr;
	_ =	strace $0xD0000000  }
0x3: {  	_ = 	snop  }
0x4: {  	_ = 	snop  }
0x5: {  	_ = 	snop  }
0x6: {  	_ = 	snop  }
0x7: {  	_ = 	snop  }
__scs_overlays_trampoline_lowered:
0x8: {  	[smem:$0x3FAA] =	sst s0  }
0x9: {  	[smem:$0x3FAB] =	sst s1  }
0xa: {  	[smem:$0x3FAC] =	sst s2  }
0xb: {  	[smem:$0x3FAD] =	sst s3  }
0xc: {  	[smem:$0x3FAE] =	sst s4  }
0xd: {  	[smem:$0x3FAF] =	sst s5  }
0xe: {  	[smem:$0x3FB0] =	sst s6  }
0xf: {  	[smem:$0x3FB1] =	sst s7  }
0x10: {  	[smem:$0x3FB2] =	sst s8  }
0x11: {  	[smem:$0x3FB3] =	sst s9;
	s0 =	simm.s32 @!p0 $0x0  }
0x12: {  	s1 =	sld [smem:$0x3F99];
	s0 =	simm.s32 @p0 $0x1  }
0x13: {  	[smem:$0x3FB4] =	sst s0;
	s0 =	simm.s32 @!p1 $0x0  }
0x14: {  	s2 =	sld [smem:$0x3F98];
	s0 =	simm.s32 @p1 $0x1  }
0x15: {  	[smem:$0x3FB5] =	sst s0;
	s0 =	simm.s32 @!p2 $0x0  }
0x16: {  	s3 =	sld [smem:$0x3FDB];
	s0 =	simm.s32 @p2 $0x1  }
0x17: {  	s4 =	simm.s32 $0x1BF5;
	[smem:$0x3FB7] =	sst s0  }
0x18: {  	s0 =	sld [smem:$0x3F9A];
	_ =	swait.ge [sflag:s4], $0x0  }
0x19: {  	s7 =	sld [smem:$0x3F9B]  }
0x1a: {  	s8 =	sadd.s32 $0xFFFFE003, lr  }
0x1b: {  	s9 =	sadd.s32 $0xFFFFFEF7, lr;
	s5 =	simm.s32 $0xFFFFFFFF;
	p2 =	slt.u32 s8, $0xFFFFF086  }
0x1c: {  	p1 =	slt.u32 s9, $0xF7A;
	s5 =	simm.s32 @!p2 $0x0  }
0x1d: {  	s5 =	simm.s32 @p1 $0x1;
	p0 =	seq.s32 s7, s2  }
0x1e: {  	s7 =	smul.u32 @!p0 $0xF7A, s2;
	p2 =	seq.s32 @!p0 s5, $0x0  }
0x1f: {  	s9 =	smul.u32 $0xF7A, s1;
	s8 =	simm.s32 @!p0 $0x1BF5;
	p2 =	por !p2, p0  }
0x20: {  	[sflag:s8] =	ssyncset.s32 @!p0 $0xFFFFF086;
	s6 =	sadd.s32 @!p0 s3, s7;
	s7 =	simm.s32 @!p0 $0x108  }
0x21: {  	s3 =	sadd.s32 s3, s9;
	s6 =	sadd.s32 @!p0 $0x88, s6;
	s7 =	simm.s32 @p2 $0x1082  }
0x22: {  	[simem:s7], [sflag:s8] =	dma.local @!p0 [hbm:s6], $0xF7A  }
0x23: {  	s9 =	sor.u32 $0xD0000000, s2;
	s6 =	simm.s32 $0x108;
	_ =	swait.ge @!p0 [sflag:s8], $0x0  }
0x24: {  	s3 =	sadd.s32 $0x88, s3;
	s6 =	simm.s32 @!p1 $0x1082;
	[sflag:s4] =	ssyncset.s32 $0xFFFFF086  }
0x25: {  	[simem:s6], [sflag:s4] =	dma.local [hbm:s3], $0xF7A  }
0x26: {  	[smem:$0x3F9B] =	sst s1;
	(tag) =	ssettag s2;
	_ =	strace s9  }
0x27: {  	s1 =	sld [smem:$0x3FAB]  }
0x28: {  	s2 =	sld [smem:$0x3FAC]  }
0x29: {  	s4 =	sld [smem:$0x3FAE]  }
0x2a: {  	p0 =	seq.s32 s5, $0x0;
	s5 =	sld [smem:$0x3FAF]  }
0x2b: {  	s6 =	sld [smem:$0x3FB0]  }
0x2c: {  	s7 =	sld [smem:$0x3FB1]  }
0x2d: {  	s3 =	simm.s32 $0x108;
	s8 =	sld [smem:$0x3FB2]  }
0x2e: {  	s3 =	simm.s32 @!p0 $0x1082;
	s9 =	sld [smem:$0x3FB3]  }
0x2f: {  	lr =	sadd.s32 s0, s3;
	s0 =	sld [smem:$0x3FAA]  }
0x30: {  	s3 =	sld [smem:$0x3FAD]  }
0x31: {  	[smem:$0x3FB6] =	sst s10  }
0x32: {  	s10 =	sld [smem:$0x3FB4];
	_ =	sdelay $0x3  }
0x33: {  	p0 =	seq.s32 s10, $0x1;
	s10 =	sld [smem:$0x3FB6];
	_ =	sdelay $0x3  }
0x34: {  	[smem:$0x3FB6] =	sst s10  }
0x35: {  	s10 =	sld [smem:$0x3FB5];
	_ =	sdelay $0x3  }
0x36: {  	p1 =	seq.s32 s10, $0x1;
	s10 =	sld [smem:$0x3FB6];
	_ =	sdelay $0x3  }
0x37: {  	[smem:$0x3FB6] =	sst s10  }
0x38: {  	s10 =	sld [smem:$0x3FB7]  }
0x39: {  	_ = 	snop;
	(pc) =	sbr.ind lr, $3  }
0x3a: {  	_ = 	snop  }
0x3b: {  	_ = 	snop  }
0x3c: {  	p2 =	seq.s32 s10, $0x1;
	s10 =	sld [smem:$0x3FB6]  }
0x3d: {  	_ =	shalt  }
0x3e: {  	_ =	shalt  }
0x3f: {  	_ =	shalt  }
0x40: {  	_ =	shalt  }
0x41: {  	_ =	shalt  }
0x42: {  	_ =	shalt  }
0x43: {  	_ =	shalt  }
0x44: {  	_ =	shalt  }
0x45: {  	_ =	shalt  }
0x46: {  	_ =	shalt  }
0x47: {  	_ =	shalt  }
0x48: {  	_ =	shalt  }
0x49: {  	_ =	shalt  }
0x4a: {  	_ =	shalt  }
0x4b: {  	_ =	shalt  }
0x4c: {  	_ =	shalt  }
0x4d: {  	_ =	shalt  }
0x4e: {  	_ =	shalt  }
0x4f: {  	_ =	shalt  }
0x50: {  	_ =	shalt  }
0x51: {  	_ =	shalt  }
0x52: {  	_ =	shalt  }
0x53: {  	_ =	shalt  }
0x54: {  	_ =	shalt  }
0x55: {  	_ =	shalt  }
0x56: {  	_ =	shalt  }
0x57: {  	_ =	shalt  }
0x58: {  	_ =	shalt  }
0x59: {  	_ =	shalt  }
0x5a: {  	_ =	shalt  }
0x5b: {  	_ =	shalt  }
0x5c: {  	_ =	shalt  }
0x5d: {  	_ =	shalt  }
0x5e: {  	_ =	shalt  }
0x5f: {  	_ =	shalt  }
0x60: {  	_ =	shalt  }
0x61: {  	_ =	shalt  }
0x62: {  	_ =	shalt  }
0x63: {  	_ =	shalt  }
0x64: {  	_ =	shalt  }
0x65: {  	_ =	shalt  }
0x66: {  	_ =	shalt  }
0x67: {  	_ =	shalt  }
0x68: {  	_ =	shalt  }
0x69: {  	_ =	shalt  }
0x6a: {  	_ =	shalt  }
0x6b: {  	_ =	shalt  }
0x6c: {  	_ =	shalt  }
0x6d: {  	_ =	shalt  }
0x6e: {  	_ =	shalt  }
0x6f: {  	_ =	shalt  }
0x70: {  	_ =	shalt  }
0x71: {  	_ =	shalt  }
0x72: {  	_ =	shalt  }
0x73: {  	_ =	shalt  }
0x74: {  	_ =	shalt  }
0x75: {  	_ =	shalt  }
0x76: {  	_ =	shalt  }
0x77: {  	_ =	shalt  }
0x78: {  	_ =	shalt  }
0x79: {  	_ =	shalt  }
0x7a: {  	_ =	shalt  }
0x7b: {  	_ =	shalt  }
0x7c: {  	_ =	shalt  }
0x7d: {  	_ =	shalt  }
0x7e: {  	_ =	shalt  }
0x7f: {  	_ =	shalt  }
0x80: {  	_ =	shalt  }
0x81: {  	_ =	shalt  }
0x82: {  	_ =	shalt  }
0x83: {  	_ =	shalt  }
0x84: {  	_ =	shalt  }
0x85: {  	_ =	shalt  }
0x86: {  	_ =	shalt  }
0x87: {  	_ =	shalt  }
.Lfunc_end0:
.L_simem_size_0:
called_computation.1_lowered:
.L_overlay_start_0:
0x88: {  	s2 =	sld [smem:$0x3FD9]  }
0x89: {  	s3 =	sld [smem:$0x3FFE];
	_ =	sdelay $0x1  }
0x8a: {  	s1 =	srdreg.scid  }
0x8b: {  	s0 =	sand.u32 $0x1, s1  }
0x8c: {  	s14 =	sshll.u32 s0, $0xA;
	s2 =	sadd.s32 s3, s2  }
0x8d: {  	s2 =	sadd.s32 s2, s14  }
0x8e: {  	[smem:$0x3FC2] =	sst s2  }
0x8f: {  	_ = 	snop  }
0x90: {  	s2 =	sld [smem:$0x3FD0];
	_ =	sdelay $0x2  }
0x91: {  	s15 =	simm.s32 $0xA;
	s4 =	simm.s32 $0x10  }
0x92: {  	[smem:s4], [sflag:s15] =	dma.local [hbm:s2], $0x1  }
0x93: {  	_ =	swait.eq [sflag:s15], $0x1  }
0x94: {  	[sflag:s15] =	ssyncset.done $0x0  }
0x95: {  	[sflag:s15] =	ssyncadd.s32 $0xFFFFFFFF  }
0x96: {  	s16 =	sld [smem:$0x10];
	(tm) =	ssettm $0x1  }
0x97: {  	s17 =	sld [smem:$0x3FFB];
	_ =	sdelay $0x3  }
0x98: {  	_ =	strace s17  }
0x99: {  	s3 =	sld [smem:$0x3FFC];
	_ =	sdelay $0x3  }
0x9a: {  	_ =	strace s3  }
0x9b: {  	s3 =	sld [smem:$0x3FFD];
	_ =	sdelay $0x3  }
0x9c: {  	_ =	strace s3  }
0x9d: {  	_ =	strace $0x8FFFFFFF  }
0x9e: {  	s18 =	sld [smem:$0x3FDB];
	_ =	sdelay $0x1  }
0x9f: {  	s19 =	simm.s32 $_scs_section_size  }
0xa0: {  	s5 =	simm.s32 $_size__tile_overlayer_lowered;
	s6 =	simm.s32 $_tile_overlayer_lowered  }
0xa1: {  	s22 =	simm.s32 $0x1BFF;
	s21 =	sshll.u32 s6, $0x1;
	s3 =	sadd.s32 s19, s18  }
0xa2: {  	s7 =	simm.s32 $0x0;
	s20 =	sshll.u32 s5, $0x1;
	s5 =	sadd.s32 s21, s3  }
0xa3: {  	[timem:s7], [sflag:s22] =	dma.local [hbm:s5], s20  }
0xa4: {  	_ =	swait.ge [sflag:s22], s20  }
0xa5: {  	s4 =	ssub.s32 $0x0, s20;
	[sflag:s22] =	ssyncset.done $0x0  }
0xa6: {  	[sflag:s22] =	ssyncadd.s32 s4;
	_ =	sdelay $0x1  }
0xa7: {  	s23 =	simm.s32 $0x1B8B  }
0xa8: {  	_ =	swait.ge [sflag:s23], $0x1  }
0xa9: {  	[sflag:s23] =	ssyncset.done $0x0  }
0xaa: {  	s25 =	simm.s32 $0x1B8E;
	s24 =	sld [smem:$0x3FFE];
	[sflag:s23] =	ssyncadd.s32 $0xFFFFFFFF  }
0xab: {  	s26 =	simm.s32 $execute0_lowered;
	[smem:$0x3FD2] =	sst s25  }
0xac: {  	s5 =	sshll.u32 s26, $0x1;
	_ =	strace $0x80000049;
	[dreg:$0x1] =	wrdreg $0xFFFFFFFF  }
0xad: {  	s28 =	simm.s32 $_size_execute0_lowered;
	s3 =	sadd.s32 s3, s5;
	[dreg:$0x0] =	wrdreg $0x0  }
0xae: {  	s5 =	sshll.u32 s28, $0x1;
	[dreg:$0x2] =	wrdreg s3  }
0xaf: {  	[dreg:$0x3] =	wrdreg s5  }
0xb0: {  	[dreg:$0x4] =	wrdreg $0xC0  }
0xb1: {  	_ =	task [dreg:s7], $0x5FFFF  }
0xb2: {  	[dreg:$0x1] =	wrdreg $0xFFFFFFFF  }
0xb3: {  	[dreg:$0x0] =	wrdreg $0x60  }
0xb4: {  	[dreg:$0x2] =	wrdreg s16  }
0xb5: {  	[dreg:$0x3] =	wrdreg s24  }
0xb6: {  	[dreg:$0x4] =	wrdreg $0x41000  }
0xb7: {  	[dreg:$0x5] =	wrdreg $0x9  }
0xb8: {  	_ =	task.clear_ibuf [dreg:s7], $0x6FFFF;
	_ =	strace $0x90000049  }
0xb9: {  	s29 =	simm.s32 $0x9;
	_ =	strace $0x8000004B  }
0xba: {  	_ =	swait.ge [sflag:s29], $0x1  }
0xbb: {  	[sflag:s29] =	ssyncadd.s32 $0xFFFFFFFF  }
0xbc: {  	_ =	strace $0x9000004B  }
0xbd: {  	_ =	sfence  }
0xbe: {  	s30 =	sld [smem:$0x0];
	_ =	sdelay $0x2  }
0xbf: {  	s31 =	sshll.u32 s1, $0xD;
	s1 =	sshrl.u32 s1, $0x2  }
0xc0: {  	s3 =	sand.u32 $0x4000, s31;
	s1 =	sadd.s32 s1, s30  }
0xc1: {  	s0 =	sor.u32 s3, s0;
	s1 =	sshll.u32 s1, $0x11  }
0xc2: {  	s0 =	sor.u32 s1, s0  }
0xc3: {  	s0 =	sadd.s32 $0x8F2B, s0  }
0xc4: {  	[sflag:s0] =	ssyncadd.remote.s32 $0x1  }
0xc5: {  	_ =	sfence.sel $0xFFFF  }
0xc6: {  	[dreg:$0x0] =	wrdreg $0xFFFFFFFF;
	(pc) =	sbr.abs _section_cstart, $3  }
0xc7: {  	[dreg:$0x1] =	wrdreg $0xFFFFFFFF  }
0xc8: {  	_ =	task.clear_ibuf [dreg:s7], $0x2FFFF;
	_ =	strace $0x9FFFFFFF  }
0xc9: {  	(tm) =	ssettm $0x7FFFFFFF  }
tec
execute0_lowered:
.L_overlay_start_1:
0x0: {  	(tag) =	ssettag $0x1  }
0x1: {  	s10 =	rddreg [dreg:$0x0];
	s1 =	srdreg.scid  }
0x2: {  	s0 =	stileid.u32;
	s5 =	rddreg [dreg:$0x1]  }
0x3: {  	s2 =	rddreg [dreg:$0x2];
	s3 =	simm.s32 $0x0;
	s4 =	smul.u32 $0x5000, s0  }
0x4: {  	s15 =	simm.s32 $0x1;
	s6 =	sand.u32 $0x1, s1;
	s8 =	smul.u32 $0x14000, s0  }
0x5: {  	s16 =	simm.s32 $0x0;
	s1 =	rddreg [dreg:$0x3];
	s7 =	smul.u32 $0x2800, s6  }
0x6: {  	[smem:$0x7FF] =	sst s3;
	s31 =	sshll.u32 s0, $0x6;
	s29 =	smul.u32 $0x140000, s6  }
0x7: {  	_ =	strace $0x8000004A;
	s6 =	ssub.s32 $0x2, s6;
	s12 =	sshrl.u32 s8, $0x3  }
0x8: {  	s30 =	sshrl.u32 s6, $0x1;
	s14 =	sadd.s32 s8, s2;
	s4 =	sadd.s32 s7, s4  }
0x9: {  	s7 =	sadd.s32 s8, s29;
	s12 =	sadd.s32 s12, s5;
	s13 =	ssub.s32 s6, s30  }
0xa: {  	s6 =	sor.u32 $0x1C02, s31;
	s11 =	sshrl.u32 s4, $0x3;
	s4 =	sadd.s32 $0x33800, s5  }
0xb: {  	s7 =	sshrl.u32 s7, $0x3;
	s8 =	smax.u32 s13, $0x1;
	s13 =	simm.s32 $0x80  }
0xc: {  	s9 =	sadd.s32 s11, s5;
	s7 =	sadd.s32 s7, s5;
	s5 =	sadd.s32 $0x5B800, s12  }
0xd: {  	s10 =	sadd.s32 s11, s10;
	s11 =	sshrl.u32 s14, $0x3;
	s12 =	simm.s32 $0x2  }
0xe: {  	s14 =	simm.s32 $0x100;
	s7 =	sadd.s32 $0x83800, s7;
	s9 =	sadd.s32 $0x1800, s9  }
.LBB2_1:
0xf: {  	[spmem:s11], [sflag:s6] =	dma.local [hbm:s5], $0x2800  }
0x10: {  	_ =	swait.ge [sflag:s12], $0x2800  }
0x11: {  	[sflag:s12] =	ssyncset.done $0x0  }
0x12: {  	[sflag:s12] =	ssyncadd.s32 $0xFFFFD800  }
0x13: {  	s17 =	sadd.s32 $0x0, s10;
	[bflag:$0x0] =	sbarrier.arrive $0xFFFF  }
0x14: {  	[tilespmem:s3], [sflag:$0x2] =	stream.linear.gather [hbm4b:s17+s3], $0x80, $0x38;
	[tilespmem:$0x18100] =	vst v63  }
0x15: {  	_ =	swait.ge [sflag:s12], $0x80  }
0x16: {  	[sflag:s12] =	ssyncset.done $0x0  }
0x17: {  	s31 =	sadd.s32 $0x0, s9;
	[sflag:s12] =	ssyncadd.s32 $0xFFFFFF80  }
0x18: {  	[tilespmem:s13], [sflag:$0x2] =	stream.linear.gather [hbm4b:s31+s3], $0x80, $0x38;
	[tilespmem:$0x18100] =	vst v63  }
0x19: {  	_ =	swait.ge [sflag:s12], $0x80  }
0x1a: {  	[sflag:s12] =	ssyncset.done $0x0  }
0x1b: {  	[sflag:s12] =	ssyncadd.s32 $0xFFFFFF80  }
0x1c: {  	[tilespmem:s14], [sflag:$0x1] =	stream.indirect.gather [hbm4b:s4+s13], $0x80, s3, s13, $0xb8;
	[tilespmem:$0x18100] =	vst v63  }
0x1d: {  	_ =	swait.ge [sflag:s15], $0x4000  }
0x1e: {  	[sflag:s15] =	ssyncset.done $0x0  }
0x1f: {  	[sflag:s15] =	ssyncadd.s32 $0xFFFFC000  }
0x20: {  	[spmem:s2] =	stream.indirect.scatter.add.f32 [tilespmem:s14], [sflag:$0x2], $0x80, s13, s13, $0xb8;
	[tilespmem:$0x18100] =	vst v63  }
0x21: {  	_ =	swait.ge [sflag:s12], $0x4000  }
0x22: {  	s18 =	simm.s32 $0x20;
	s17 =	simm.s32 $0x10;
	[sflag:s12] =	ssyncset.done $0x0  }
.LBB2_2:
0x23: {  	s19 =	sadd.s32 s17, s10  }
0x24: {  	[sflag:s12] =	ssyncadd.s32 $0xFFFFC000;
	s20 =	smov.u32 s18;
	s21 =	sadd.s32 $0x10, s18  }
0x25: {  	[tilespmem:s3], [sflag:$0x2] =	stream.linear.gather [hbm4b:s19+s3], $0x80, $0x38;
	[tilespmem:$0x18100] =	vst v63  }
0x26: {  	p0 =	sne.s32 s18, $0x4F0;
	_ =	swait.ge [sflag:s12], $0x80  }
0x27: {  	[sflag:s12] =	ssyncset.done $0x0  }
0x28: {  	s18 =	sadd.s32 s17, s9;
	s17 =	smov.u32 s20;
	[sflag:s12] =	ssyncadd.s32 $0xFFFFFF80  }
0x29: {  	[tilespmem:s13], [sflag:$0x2] =	stream.linear.gather [hbm4b:s18+s3], $0x80, $0x38;
	[tilespmem:$0x18100] =	vst v63  }
0x2a: {  	_ =	swait.ge [sflag:s12], $0x80  }
0x2b: {  	[sflag:s12] =	ssyncset.done $0x0  }
0x2c: {  	[sflag:s12] =	ssyncadd.s32 $0xFFFFFF80  }
0x2d: {  	[tilespmem:s14], [sflag:$0x1] =	stream.indirect.gather [hbm4b:s4+s13], $0x80, s3, s13, $0xb8;
	[tilespmem:$0x18100] =	vst v63  }
0x2e: {  	_ =	swait.ge [sflag:s15], $0x4000  }
.Ltmp0:
0x2f: {  	[sflag:s15] =	ssyncset.done $0x0;
	(pc) =	sbr.rel @p0 .LBB2_2-.Ltmp0, $4  }
0x30: {  	[sflag:s15] =	ssyncadd.s32 $0xFFFFC000  }
0x31: {  	[spmem:s2] =	stream.indirect.scatter.add.f32 [tilespmem:s14], [sflag:$0x2], $0x80, s13, s13, $0xb8;
	[tilespmem:$0x18100] =	vst v63  }
0x32: {  	_ =	swait.ge [sflag:s12], $0x4000  }
0x33: {  	s18 =	smov.u32 s21;
	[sflag:s12] =	ssyncset.done $0x0  }
0x34: {  	s18 =	sadd.s32 s17, s10;
	[sflag:s12] =	ssyncadd.s32 $0xFFFFC000  }
0x35: {  	[tilespmem:s3], [sflag:$0x2] =	stream.linear.gather [hbm4b:s18+s3], $0x80, $0x38;
	[tilespmem:$0x18100] =	vst v63  }
0x36: {  	_ =	swait.ge [sflag:s12], $0x80  }
0x37: {  	[sflag:s12] =	ssyncset.done $0x0  }
0x38: {  	s31 =	sadd.s32 s17, s9;
	[sflag:s12] =	ssyncadd.s32 $0xFFFFFF80  }
0x39: {  	[tilespmem:s13], [sflag:$0x2] =	stream.linear.gather [hbm4b:s31+s3], $0x80, $0x38;
	[tilespmem:$0x18100] =	vst v63  }
0x3a: {  	_ =	swait.ge [sflag:s12], $0x80  }
0x3b: {  	[sflag:s12] =	ssyncset.done $0x0  }
0x3c: {  	[sflag:s12] =	ssyncadd.s32 $0xFFFFFF80  }
0x3d: {  	[tilespmem:s14], [sflag:$0x1] =	stream.indirect.gather [hbm4b:s4+s13], $0x80, s3, s13, $0xb8;
	[tilespmem:$0x18100] =	vst v63  }
0x3e: {  	_ =	swait.ge [sflag:s15], $0x4000  }
0x3f: {  	[sflag:s15] =	ssyncset.done $0x0  }
0x40: {  	[sflag:s15] =	ssyncadd.s32 $0xFFFFC000  }
0x41: {  	[spmem:s2] =	stream.indirect.scatter.add.f32 [tilespmem:s14], [sflag:$0x2], $0x80, s13, s13, $0xb8;
	[tilespmem:$0x18100] =	vst v63  }
0x42: {  	_ =	swait.ge [sflag:s12], $0x4000  }
0x43: {  	s16 =	sadd.s32 $0x1, s16;
	[sflag:s12] =	ssyncset.done $0x0  }
0x44: {  	p0 =	sne.s32 s16, s8;
	[sflag:s12] =	ssyncadd.s32 $0xFFFFC000  }
.Ltmp1:
0x45: {  	[bflag:$0x0] =	sbarrier.arrive $0xFFFF;
	(pc) =	sbr.rel @p0 .LBB2_1-.Ltmp1, $4  }
0x46: {  	[hbm:s7], [sflag:s6] =	dma.local [spmem:s11], $0x2800  }
0x47: {  	_ =	swait.ge [sflag:s12], $0x2800  }
0x48: {  	[sflag:s12] =	ssyncset.done $0x0  }
0x49: {  	[sflag:s12] =	ssyncadd.s32 $0xFFFFD800  }
0x4a: {  	_ =	sfence.sel $0x180000  }
0x4b: {  	[bflag:$0x0] =	sbarrier.arrive $0xFFFF  }
0x4c: {  	p0 =	sne.s32 s0, $0x0;
	_ =	strace $0x9000004A  }
0x4d: {  	s0 =	sadd.s32 @!p0 $0x100000, s1;
	[bflag:$0x2] =	sbarrier.arrive $0xFFFF  }
0x4e: {  	[sflag:s0] =	ssyncadd.tile.s32 @!p0 $0x1;
	_ =	shalt  }
.Lfunc_end2:
_tile_overlayer_lowered:
.L_overlay_start_2:
0x4f: {  	(tag) =	ssettag $0x2  }
0x50: {  	s0 =	rddreg [dreg:$0x0];
	s2 =	stileid.u32  }
0x51: {  	s1 =	rddreg [dreg:$0x1];
	p0 =	sne.s32 s2, $0x0  }
0x52: {  	s3 =	rddreg [dreg:$0x2];
	[bflag:$0x3] =	sbarrier.arrive $0xFFFF;
	s2 =	simm.s32 @!p0 $0x1C02  }
0x53: {  	[timem:s3], [sflag:s2] =	dma.local @!p0 [hbm:s0], s1  }
0x54: {  	s0 =	simm.s32 @!p0 $0x2  }
0x55: {  	_ =	swait.ge @!p0 [sflag:s0], s1  }
0x56: {  	s1 =	ssub.s32 @!p0 $0x0, s1;
	[sflag:s0] =	ssyncset.done @!p0 $0x0  }
0x57: {  	[sflag:s0] =	ssyncadd.s32 @!p0 s1  }
0x58: {  	[bflag:$0x3] =	sbarrier.arrive $0xFFFF  }
0x59: {  	_ =	shalt  }

// kernel: kernel.14.cloned.1.call-start
scs
__scs_entry_jumppad:
0x0: {  	(pc) =	sbr.rel $0x88, $3  }
0x1: {  	(tag) =	ssettag $0x0;
	lr =	simm.s32 $0x1  }
0x2: {  	[smem:$0x3F9B] =	sst lr;
	_ =	strace $0xD0000000  }
0x3: {  	_ = 	snop  }
0x4: {  	_ = 	snop  }
0x5: {  	_ = 	snop  }
0x6: {  	_ = 	snop  }
0x7: {  	_ = 	snop  }
__scs_overlays_trampoline_lowered:
0x8: {  	[smem:$0x3FAA] =	sst s0  }
0x9: {  	[smem:$0x3FAB] =	sst s1  }
0xa: {  	[smem:$0x3FAC] =	sst s2  }
0xb: {  	[smem:$0x3FAD] =	sst s3  }
0xc: {  	[smem:$0x3FAE] =	sst s4  }
0xd: {  	[smem:$0x3FAF] =	sst s5  }
0xe: {  	[smem:$0x3FB0] =	sst s6  }
0xf: {  	[smem:$0x3FB1] =	sst s7  }
0x10: {  	[smem:$0x3FB2] =	sst s8  }
0x11: {  	[smem:$0x3FB3] =	sst s9;
	s0 =	simm.s32 @!p0 $0x0  }
0x12: {  	s1 =	sld [smem:$0x3F99];
	s0 =	simm.s32 @p0 $0x1  }
0x13: {  	[smem:$0x3FB4] =	sst s0;
	s0 =	simm.s32 @!p1 $0x0  }
0x14: {  	s2 =	sld [smem:$0x3F98];
	s0 =	simm.s32 @p1 $0x1  }
0x15: {  	[smem:$0x3FB5] =	sst s0;
	s0 =	simm.s32 @!p2 $0x0  }
0x16: {  	s3 =	sld [smem:$0x3FDB];
	s0 =	simm.s32 @p2 $0x1  }
0x17: {  	s4 =	simm.s32 $0x1BF5;
	[smem:$0x3FB7] =	sst s0  }
0x18: {  	s0 =	sld [smem:$0x3F9A];
	_ =	swait.ge [sflag:s4], $0x0  }
0x19: {  	s7 =	sld [smem:$0x3F9B]  }
0x1a: {  	s8 =	sadd.s32 $0xFFFFE003, lr  }
0x1b: {  	s9 =	sadd.s32 $0xFFFFFEF7, lr;
	s5 =	simm.s32 $0xFFFFFFFF;
	p2 =	slt.u32 s8, $0xFFFFF086  }
0x1c: {  	p1 =	slt.u32 s9, $0xF7A;
	s5 =	simm.s32 @!p2 $0x0  }
0x1d: {  	s5 =	simm.s32 @p1 $0x1;
	p0 =	seq.s32 s7, s2  }
0x1e: {  	s7 =	smul.u32 @!p0 $0xF7A, s2;
	p2 =	seq.s32 @!p0 s5, $0x0  }
0x1f: {  	s9 =	smul.u32 $0xF7A, s1;
	s8 =	simm.s32 @!p0 $0x1BF5;
	p2 =	por !p2, p0  }
0x20: {  	[sflag:s8] =	ssyncset.s32 @!p0 $0xFFFFF086;
	s6 =	sadd.s32 @!p0 s3, s7;
	s7 =	simm.s32 @!p0 $0x108  }
0x21: {  	s3 =	sadd.s32 s3, s9;
	s6 =	sadd.s32 @!p0 $0x88, s6;
	s7 =	simm.s32 @p2 $0x1082  }
0x22: {  	[simem:s7], [sflag:s8] =	dma.local @!p0 [hbm:s6], $0xF7A  }
0x23: {  	s9 =	sor.u32 $0xD0000000, s2;
	s6 =	simm.s32 $0x108;
	_ =	swait.ge @!p0 [sflag:s8], $0x0  }
0x24: {  	s3 =	sadd.s32 $0x88, s3;
	s6 =	simm.s32 @!p1 $0x1082;
	[sflag:s4] =	ssyncset.s32 $0xFFFFF086  }
0x25: {  	[simem:s6], [sflag:s4] =	dma.local [hbm:s3], $0xF7A  }
0x26: {  	[smem:$0x3F9B] =	sst s1;
	(tag) =	ssettag s2;
	_ =	strace s9  }
0x27: {  	s1 =	sld [smem:$0x3FAB]  }
0x28: {  	s2 =	sld [smem:$0x3FAC]  }
0x29: {  	s4 =	sld [smem:$0x3FAE]  }
0x2a: {  	p0 =	seq.s32 s5, $0x0;
	s5 =	sld [smem:$0x3FAF]  }
0x2b: {  	s6 =	sld [smem:$0x3FB0]  }
0x2c: {  	s7 =	sld [smem:$0x3FB1]  }
0x2d: {  	s3 =	simm.s32 $0x108;
	s8 =	sld [smem:$0x3FB2]  }
0x2e: {  	s3 =	simm.s32 @!p0 $0x1082;
	s9 =	sld [smem:$0x3FB3]  }
0x2f: {  	lr =	sadd.s32 s0, s3;
	s0 =	sld [smem:$0x3FAA]  }
0x30: {  	s3 =	sld [smem:$0x3FAD]  }
0x31: {  	[smem:$0x3FB6] =	sst s10  }
0x32: {  	s10 =	sld [smem:$0x3FB4];
	_ =	sdelay $0x3  }
0x33: {  	p0 =	seq.s32 s10, $0x1;
	s10 =	sld [smem:$0x3FB6];
	_ =	sdelay $0x3  }
0x34: {  	[smem:$0x3FB6] =	sst s10  }
0x35: {  	s10 =	sld [smem:$0x3FB5];
	_ =	sdelay $0x3  }
0x36: {  	p1 =	seq.s32 s10, $0x1;
	s10 =	sld [smem:$0x3FB6];
	_ =	sdelay $0x3  }
0x37: {  	[smem:$0x3FB6] =	sst s10  }
0x38: {  	s10 =	sld [smem:$0x3FB7]  }
0x39: {  	_ = 	snop;
	(pc) =	sbr.ind lr, $3  }
0x3a: {  	_ = 	snop  }
0x3b: {  	_ = 	snop  }
0x3c: {  	p2 =	seq.s32 s10, $0x1;
	s10 =	sld [smem:$0x3FB6]  }
0x3d: {  	_ =	shalt  }
0x3e: {  	_ =	shalt  }
0x3f: {  	_ =	shalt  }
0x40: {  	_ =	shalt  }
0x41: {  	_ =	shalt  }
0x42: {  	_ =	shalt  }
0x43: {  	_ =	shalt  }
0x44: {  	_ =	shalt  }
0x45: {  	_ =	shalt  }
0x46: {  	_ =	shalt  }
0x47: {  	_ =	shalt  }
0x48: {  	_ =	shalt  }
0x49: {  	_ =	shalt  }
0x4a: {  	_ =	shalt  }
0x4b: {  	_ =	shalt  }
0x4c: {  	_ =	shalt  }
0x4d: {  	_ =	shalt  }
0x4e: {  	_ =	shalt  }
0x4f: {  	_ =	shalt  }
0x50: {  	_ =	shalt  }
0x51: {  	_ =	shalt  }
0x52: {  	_ =	shalt  }
0x53: {  	_ =	shalt  }
0x54: {  	_ =	shalt  }
0x55: {  	_ =	shalt  }
0x56: {  	_ =	shalt  }
0x57: {  	_ =	shalt  }
0x58: {  	_ =	shalt  }
0x59: {  	_ =	shalt  }
0x5a: {  	_ =	shalt  }
0x5b: {  	_ =	shalt  }
0x5c: {  	_ =	shalt  }
0x5d: {  	_ =	shalt  }
0x5e: {  	_ =	shalt  }
0x5f: {  	_ =	shalt  }
0x60: {  	_ =	shalt  }
0x61: {  	_ =	shalt  }
0x62: {  	_ =	shalt  }
0x63: {  	_ =	shalt  }
0x64: {  	_ =	shalt  }
0x65: {  	_ =	shalt  }
0x66: {  	_ =	shalt  }
0x67: {  	_ =	shalt  }
0x68: {  	_ =	shalt  }
0x69: {  	_ =	shalt  }
0x6a: {  	_ =	shalt  }
0x6b: {  	_ =	shalt  }
0x6c: {  	_ =	shalt  }
0x6d: {  	_ =	shalt  }
0x6e: {  	_ =	shalt  }
0x6f: {  	_ =	shalt  }
0x70: {  	_ =	shalt  }
0x71: {  	_ =	shalt  }
0x72: {  	_ =	shalt  }
0x73: {  	_ =	shalt  }
0x74: {  	_ =	shalt  }
0x75: {  	_ =	shalt  }
0x76: {  	_ =	shalt  }
0x77: {  	_ =	shalt  }
0x78: {  	_ =	shalt  }
0x79: {  	_ =	shalt  }
0x7a: {  	_ =	shalt  }
0x7b: {  	_ =	shalt  }
0x7c: {  	_ =	shalt  }
0x7d: {  	_ =	shalt  }
0x7e: {  	_ =	shalt  }
0x7f: {  	_ =	shalt  }
0x80: {  	_ =	shalt  }
0x81: {  	_ =	shalt  }
0x82: {  	_ =	shalt  }
0x83: {  	_ =	shalt  }
0x84: {  	_ =	shalt  }
0x85: {  	_ =	shalt  }
0x86: {  	_ =	shalt  }
0x87: {  	_ =	shalt  }
.Lfunc_end0:
.L_simem_size_0:
called_computation.2_lowered:
.L_overlay_start_0:
0x88: {  	s2 =	sld [smem:$0x3FD9]  }
0x89: {  	s3 =	sld [smem:$0x3FFE];
	_ =	sdelay $0x1  }
0x8a: {  	s1 =	srdreg.scid  }
0x8b: {  	s0 =	sand.u32 $0x1, s1  }
0x8c: {  	s14 =	sshll.u32 s0, $0xA;
	s2 =	sadd.s32 s3, s2  }
0x8d: {  	s2 =	sadd.s32 s2, s14  }
0x8e: {  	[smem:$0x3FC2] =	sst s2  }
0x8f: {  	_ = 	snop  }
0x90: {  	s2 =	sld [smem:$0x3FD0];
	_ =	sdelay $0x2  }
0x91: {  	s15 =	simm.s32 $0xA;
	s4 =	simm.s32 $0x10  }
0x92: {  	[smem:s4], [sflag:s15] =	dma.local [hbm:s2], $0x1  }
0x93: {  	_ =	swait.eq [sflag:s15], $0x1  }
0x94: {  	[sflag:s15] =	ssyncset.done $0x0  }
0x95: {  	[sflag:s15] =	ssyncadd.s32 $0xFFFFFFFF  }
0x96: {  	s16 =	sld [smem:$0x10];
	(tm) =	ssettm $0x1  }
0x97: {  	s17 =	sld [smem:$0x3FFB];
	_ =	sdelay $0x3  }
0x98: {  	_ =	strace s17  }
0x99: {  	s3 =	sld [smem:$0x3FFC];
	_ =	sdelay $0x3  }
0x9a: {  	_ =	strace s3  }
0x9b: {  	s3 =	sld [smem:$0x3FFD];
	_ =	sdelay $0x3  }
0x9c: {  	_ =	strace s3  }
0x9d: {  	_ =	strace $0x8FFFFFFF  }
0x9e: {  	s18 =	sld [smem:$0x3FDB];
	_ =	sdelay $0x1  }
0x9f: {  	s19 =	simm.s32 $_scs_section_size  }
0xa0: {  	s5 =	simm.s32 $_size__tile_overlayer_lowered;
	s6 =	simm.s32 $_tile_overlayer_lowered  }
0xa1: {  	s22 =	simm.s32 $0x1BFF;
	s21 =	sshll.u32 s6, $0x1;
	s3 =	sadd.s32 s19, s18  }
0xa2: {  	s7 =	simm.s32 $0x0;
	s20 =	sshll.u32 s5, $0x1;
	s5 =	sadd.s32 s21, s3  }
0xa3: {  	[timem:s7], [sflag:s22] =	dma.local [hbm:s5], s20  }
0xa4: {  	_ =	swait.ge [sflag:s22], s20  }
0xa5: {  	s4 =	ssub.s32 $0x0, s20;
	[sflag:s22] =	ssyncset.done $0x0  }
0xa6: {  	[sflag:s22] =	ssyncadd.s32 s4;
	_ =	sdelay $0x1  }
0xa7: {  	s23 =	simm.s32 $0x1B8B  }
0xa8: {  	_ =	swait.ge [sflag:s23], $0x1  }
0xa9: {  	[sflag:s23] =	ssyncset.done $0x0  }
0xaa: {  	s25 =	simm.s32 $0x1B8E;
	s24 =	sld [smem:$0x3FFE];
	[sflag:s23] =	ssyncadd.s32 $0xFFFFFFFF  }
0xab: {  	s26 =	simm.s32 $execute0_lowered;
	[smem:$0x3FD2] =	sst s25  }
0xac: {  	s5 =	sshll.u32 s26, $0x1;
	_ =	strace $0x8000004C;
	[dreg:$0x1] =	wrdreg $0xFFFFFFFF  }
0xad: {  	s28 =	simm.s32 $_size_execute0_lowered;
	s3 =	sadd.s32 s3, s5;
	[dreg:$0x0] =	wrdreg $0x0  }
0xae: {  	s5 =	sshll.u32 s28, $0x1;
	[dreg:$0x2] =	wrdreg s3  }
0xaf: {  	[dreg:$0x3] =	wrdreg s5  }
0xb0: {  	[dreg:$0x4] =	wrdreg $0xC0  }
0xb1: {  	_ =	task [dreg:s7], $0x5FFFF  }
0xb2: {  	[dreg:$0x1] =	wrdreg $0xFFFFFFFF  }
0xb3: {  	[dreg:$0x0] =	wrdreg $0x60  }
0xb4: {  	[dreg:$0x2] =	wrdreg s16  }
0xb5: {  	[dreg:$0x3] =	wrdreg s24  }
0xb6: {  	[dreg:$0x4] =	wrdreg $0x21000  }
0xb7: {  	[dreg:$0x5] =	wrdreg $0x9  }
0xb8: {  	_ =	task.clear_ibuf [dreg:s7], $0x6FFFF;
	_ =	strace $0x9000004C  }
0xb9: {  	s29 =	simm.s32 $0x9;
	_ =	strace $0x8000004E  }
0xba: {  	_ =	swait.ge [sflag:s29], $0x1  }
0xbb: {  	[sflag:s29] =	ssyncadd.s32 $0xFFFFFFFF  }
0xbc: {  	_ =	strace $0x9000004E  }
0xbd: {  	_ =	sfence  }
0xbe: {  	s30 =	sld [smem:$0x0];
	_ =	sdelay $0x2  }
0xbf: {  	s31 =	sshll.u32 s1, $0xD;
	s1 =	sshrl.u32 s1, $0x2  }
0xc0: {  	s3 =	sand.u32 $0x4000, s31;
	s1 =	sadd.s32 s1, s30  }
0xc1: {  	s0 =	sor.u32 s3, s0;
	s1 =	sshll.u32 s1, $0x11  }
0xc2: {  	s0 =	sor.u32 s1, s0  }
0xc3: {  	s0 =	sadd.s32 $0x8F2B, s0  }
0xc4: {  	[sflag:s0] =	ssyncadd.remote.s32 $0x1  }
0xc5: {  	_ =	sfence.sel $0xFFFF  }
0xc6: {  	[dreg:$0x0] =	wrdreg $0xFFFFFFFF;
	(pc) =	sbr.abs _section_cstart, $3  }
0xc7: {  	[dreg:$0x1] =	wrdreg $0xFFFFFFFF  }
0xc8: {  	_ =	task.clear_ibuf [dreg:s7], $0x2FFFF;
	_ =	strace $0x9FFFFFFF  }
0xc9: {  	(tm) =	ssettm $0x7FFFFFFF  }
tec
execute0_lowered:
.L_overlay_start_1:
0x0: {  	(tag) =	ssettag $0x1  }
0x1: {  	s10 =	rddreg [dreg:$0x0];
	s1 =	srdreg.scid  }
0x2: {  	s0 =	stileid.u32;
	s5 =	rddreg [dreg:$0x1]  }
0x3: {  	s2 =	rddreg [dreg:$0x2];
	s3 =	simm.s32 $0x0;
	s4 =	smul.u32 $0x5000, s0  }
0x4: {  	s15 =	simm.s32 $0x1;
	s6 =	sand.u32 $0x1, s1;
	s8 =	smul.u32 $0xA000, s0  }
0x5: {  	s16 =	simm.s32 $0x0;
	s1 =	rddreg [dreg:$0x3];
	s7 =	smul.u32 $0x2800, s6  }
0x6: {  	[smem:$0x7FF] =	sst s3;
	s31 =	sshll.u32 s0, $0x6;
	s29 =	smul.u32 $0xA0000, s6  }
0x7: {  	_ =	strace $0x8000004D;
	s6 =	ssub.s32 $0x2, s6;
	s12 =	sshrl.u32 s8, $0x3  }
0x8: {  	s30 =	sshrl.u32 s6, $0x1;
	s14 =	sadd.s32 s8, s2;
	s4 =	sadd.s32 s7, s4  }
0x9: {  	s7 =	sadd.s32 s8, s29;
	s12 =	sadd.s32 s12, s5;
	s13 =	ssub.s32 s6, s30  }
0xa: {  	s6 =	sor.u32 $0x1C02, s31;
	s11 =	sshrl.u32 s4, $0x3;
	s4 =	sadd.s32 $0x33800, s5  }
0xb: {  	s7 =	sshrl.u32 s7, $0x3;
	s8 =	smax.u32 s13, $0x1;
	s13 =	simm.s32 $0x80  }
0xc: {  	s9 =	sadd.s32 s11, s5;
	s7 =	sadd.s32 s7, s5;
	s5 =	sadd.s32 $0x47800, s12  }
0xd: {  	s10 =	sadd.s32 s11, s10;
	s11 =	sshrl.u32 s14, $0x3;
	s12 =	simm.s32 $0x2  }
0xe: {  	s14 =	simm.s32 $0x100;
	s7 =	sadd.s32 $0x5B800, s7;
	s9 =	sadd.s32 $0x1800, s9  }
.LBB2_1:
0xf: {  	[spmem:s11], [sflag:s6] =	dma.local [hbm:s5], $0x1400  }
0x10: {  	_ =	swait.ge [sflag:s12], $0x1400  }
0x11: {  	[sflag:s12] =	ssyncset.done $0x0  }
0x12: {  	[sflag:s12] =	ssyncadd.s32 $0xFFFFEC00  }
0x13: {  	s17 =	sadd.s32 $0x0, s10;
	[bflag:$0x0] =	sbarrier.arrive $0xFFFF  }
0x14: {  	[tilespmem:s3], [sflag:$0x2] =	stream.linear.gather [hbm4b:s17+s3], $0x80, $0x38;
	[tilespmem:$0xC100] =	vst v63  }
0x15: {  	_ =	swait.ge [sflag:s12], $0x80  }
0x16: {  	[sflag:s12] =	ssyncset.done $0x0  }
0x17: {  	s31 =	sadd.s32 $0x0, s9;
	[sflag:s12] =	ssyncadd.s32 $0xFFFFFF80  }
0x18: {  	[tilespmem:s13], [sflag:$0x2] =	stream.linear.gather [hbm4b:s31+s3], $0x80, $0x38;
	[tilespmem:$0xC100] =	vst v63  }
0x19: {  	_ =	swait.ge [sflag:s12], $0x80  }
0x1a: {  	[sflag:s12] =	ssyncset.done $0x0  }
0x1b: {  	[sflag:s12] =	ssyncadd.s32 $0xFFFFFF80  }
0x1c: {  	[tilespmem:s14], [sflag:$0x1] =	stream.indirect.gather [hbm4b:s4+s13], $0x40, s3, s13, $0xb8;
	[tilespmem:$0xC100] =	vst v63  }
0x1d: {  	_ =	swait.ge [sflag:s15], $0x2000  }
0x1e: {  	[sflag:s15] =	ssyncset.done $0x0  }
0x1f: {  	[sflag:s15] =	ssyncadd.s32 $0xFFFFE000  }
0x20: {  	[spmem:s2] =	stream.indirect.scatter.add.f32 [tilespmem:s14], [sflag:$0x2], $0x40, s13, s13, $0xb8;
	[tilespmem:$0xC100] =	vst v63  }
0x21: {  	_ =	swait.ge [sflag:s12], $0x2000  }
0x22: {  	s18 =	simm.s32 $0x20;
	s17 =	simm.s32 $0x10;
	[sflag:s12] =	ssyncset.done $0x0  }
.LBB2_2:
0x23: {  	s19 =	sadd.s32 s17, s10  }
0x24: {  	[sflag:s12] =	ssyncadd.s32 $0xFFFFE000;
	s20 =	smov.u32 s18;
	s21 =	sadd.s32 $0x10, s18  }
0x25: {  	[tilespmem:s3], [sflag:$0x2] =	stream.linear.gather [hbm4b:s19+s3], $0x80, $0x38;
	[tilespmem:$0xC100] =	vst v63  }
0x26: {  	p0 =	sne.s32 s18, $0x4F0;
	_ =	swait.ge [sflag:s12], $0x80  }
0x27: {  	[sflag:s12] =	ssyncset.done $0x0  }
0x28: {  	s18 =	sadd.s32 s17, s9;
	s17 =	smov.u32 s20;
	[sflag:s12] =	ssyncadd.s32 $0xFFFFFF80  }
0x29: {  	[tilespmem:s13], [sflag:$0x2] =	stream.linear.gather [hbm4b:s18+s3], $0x80, $0x38;
	[tilespmem:$0xC100] =	vst v63  }
0x2a: {  	_ =	swait.ge [sflag:s12], $0x80  }
0x2b: {  	[sflag:s12] =	ssyncset.done $0x0  }
0x2c: {  	[sflag:s12] =	ssyncadd.s32 $0xFFFFFF80  }
0x2d: {  	[tilespmem:s14], [sflag:$0x1] =	stream.indirect.gather [hbm4b:s4+s13], $0x40, s3, s13, $0xb8;
	[tilespmem:$0xC100] =	vst v63  }
0x2e: {  	_ =	swait.ge [sflag:s15], $0x2000  }
.Ltmp0:
0x2f: {  	[sflag:s15] =	ssyncset.done $0x0;
	(pc) =	sbr.rel @p0 .LBB2_2-.Ltmp0, $4  }
0x30: {  	[sflag:s15] =	ssyncadd.s32 $0xFFFFE000  }
0x31: {  	[spmem:s2] =	stream.indirect.scatter.add.f32 [tilespmem:s14], [sflag:$0x2], $0x40, s13, s13, $0xb8;
	[tilespmem:$0xC100] =	vst v63  }
0x32: {  	_ =	swait.ge [sflag:s12], $0x2000  }
0x33: {  	s18 =	smov.u32 s21;
	[sflag:s12] =	ssyncset.done $0x0  }
0x34: {  	s18 =	sadd.s32 s17, s10;
	[sflag:s12] =	ssyncadd.s32 $0xFFFFE000  }
0x35: {  	[tilespmem:s3], [sflag:$0x2] =	stream.linear.gather [hbm4b:s18+s3], $0x80, $0x38;
	[tilespmem:$0xC100] =	vst v63  }
0x36: {  	_ =	swait.ge [sflag:s12], $0x80  }
0x37: {  	[sflag:s12] =	ssyncset.done $0x0  }
0x38: {  	s31 =	sadd.s32 s17, s9;
	[sflag:s12] =	ssyncadd.s32 $0xFFFFFF80  }
0x39: {  	[tilespmem:s13], [sflag:$0x2] =	stream.linear.gather [hbm4b:s31+s3], $0x80, $0x38;
	[tilespmem:$0xC100] =	vst v63  }
0x3a: {  	_ =	swait.ge [sflag:s12], $0x80  }
0x3b: {  	[sflag:s12] =	ssyncset.done $0x0  }
0x3c: {  	[sflag:s12] =	ssyncadd.s32 $0xFFFFFF80  }
0x3d: {  	[tilespmem:s14], [sflag:$0x1] =	stream.indirect.gather [hbm4b:s4+s13], $0x40, s3, s13, $0xb8;
	[tilespmem:$0xC100] =	vst v63  }
0x3e: {  	_ =	swait.ge [sflag:s15], $0x2000  }
0x3f: {  	[sflag:s15] =	ssyncset.done $0x0  }
0x40: {  	[sflag:s15] =	ssyncadd.s32 $0xFFFFE000  }
0x41: {  	[spmem:s2] =	stream.indirect.scatter.add.f32 [tilespmem:s14], [sflag:$0x2], $0x40, s13, s13, $0xb8;
	[tilespmem:$0xC100] =	vst v63  }
0x42: {  	_ =	swait.ge [sflag:s12], $0x2000  }
0x43: {  	s16 =	sadd.s32 $0x1, s16;
	[sflag:s12] =	ssyncset.done $0x0  }
0x44: {  	p0 =	sne.s32 s16, s8;
	[sflag:s12] =	ssyncadd.s32 $0xFFFFE000  }
.Ltmp1:
0x45: {  	[bflag:$0x0] =	sbarrier.arrive $0xFFFF;
	(pc) =	sbr.rel @p0 .LBB2_1-.Ltmp1, $4  }
0x46: {  	[hbm:s7], [sflag:s6] =	dma.local [spmem:s11], $0x1400  }
0x47: {  	_ =	swait.ge [sflag:s12], $0x1400  }
0x48: {  	[sflag:s12] =	ssyncset.done $0x0  }
0x49: {  	[sflag:s12] =	ssyncadd.s32 $0xFFFFEC00  }
0x4a: {  	_ =	sfence.sel $0x180000  }
0x4b: {  	[bflag:$0x0] =	sbarrier.arrive $0xFFFF  }
0x4c: {  	p0 =	sne.s32 s0, $0x0;
	_ =	strace $0x9000004D  }
0x4d: {  	s0 =	sadd.s32 @!p0 $0x100000, s1;
	[bflag:$0x2] =	sbarrier.arrive $0xFFFF  }
0x4e: {  	[sflag:s0] =	ssyncadd.tile.s32 @!p0 $0x1;
	_ =	shalt  }
.Lfunc_end2:
_tile_overlayer_lowered:
.L_overlay_start_2:
0x4f: {  	(tag) =	ssettag $0x2  }
0x50: {  	s0 =	rddreg [dreg:$0x0];
	s2 =	stileid.u32  }
0x51: {  	s1 =	rddreg [dreg:$0x1];
	p0 =	sne.s32 s2, $0x0  }
0x52: {  	s3 =	rddreg [dreg:$0x2];
	[bflag:$0x3] =	sbarrier.arrive $0xFFFF;
	s2 =	simm.s32 @!p0 $0x1C02  }
0x53: {  	[timem:s3], [sflag:s2] =	dma.local @!p0 [hbm:s0], s1  }
0x54: {  	s0 =	simm.s32 @!p0 $0x2  }
0x55: {  	_ =	swait.ge @!p0 [sflag:s0], s1  }
0x56: {  	s1 =	ssub.s32 @!p0 $0x0, s1;
	[sflag:s0] =	ssyncset.done @!p0 $0x0  }
0x57: {  	[sflag:s0] =	ssyncadd.s32 @!p0 s1  }
0x58: {  	[bflag:$0x3] =	sbarrier.arrive $0xFFFF  }
0x59: {  	_ =	shalt  }

// kernel: kernel.8.cloned.1.call-start
scs
__scs_entry_jumppad:
0x0: {  	(pc) =	sbr.rel $0x88, $3  }
0x1: {  	(tag) =	ssettag $0x0;
	lr =	simm.s32 $0x1  }
0x2: {  	[smem:$0x3F9B] =	sst lr;
	_ =	strace $0xD0000000  }
0x3: {  	_ = 	snop  }
0x4: {  	_ = 	snop  }
0x5: {  	_ = 	snop  }
0x6: {  	_ = 	snop  }
0x7: {  	_ = 	snop  }
__scs_overlays_trampoline_lowered:
0x8: {  	[smem:$0x3FAA] =	sst s0  }
0x9: {  	[smem:$0x3FAB] =	sst s1  }
0xa: {  	[smem:$0x3FAC] =	sst s2  }
0xb: {  	[smem:$0x3FAD] =	sst s3  }
0xc: {  	[smem:$0x3FAE] =	sst s4  }
0xd: {  	[smem:$0x3FAF] =	sst s5  }
0xe: {  	[smem:$0x3FB0] =	sst s6  }
0xf: {  	[smem:$0x3FB1] =	sst s7  }
0x10: {  	[smem:$0x3FB2] =	sst s8  }
0x11: {  	[smem:$0x3FB3] =	sst s9;
	s0 =	simm.s32 @!p0 $0x0  }
0x12: {  	s1 =	sld [smem:$0x3F99];
	s0 =	simm.s32 @p0 $0x1  }
0x13: {  	[smem:$0x3FB4] =	sst s0;
	s0 =	simm.s32 @!p1 $0x0  }
0x14: {  	s2 =	sld [smem:$0x3F98];
	s0 =	simm.s32 @p1 $0x1  }
0x15: {  	[smem:$0x3FB5] =	sst s0;
	s0 =	simm.s32 @!p2 $0x0  }
0x16: {  	s3 =	sld [smem:$0x3FDB];
	s0 =	simm.s32 @p2 $0x1  }
0x17: {  	s4 =	simm.s32 $0x1BF5;
	[smem:$0x3FB7] =	sst s0  }
0x18: {  	s0 =	sld [smem:$0x3F9A];
	_ =	swait.ge [sflag:s4], $0x0  }
0x19: {  	s7 =	sld [smem:$0x3F9B]  }
0x1a: {  	s8 =	sadd.s32 $0xFFFFE003, lr  }
0x1b: {  	s9 =	sadd.s32 $0xFFFFFEF7, lr;
	s5 =	simm.s32 $0xFFFFFFFF;
	p2 =	slt.u32 s8, $0xFFFFF086  }
0x1c: {  	p1 =	slt.u32 s9, $0xF7A;
	s5 =	simm.s32 @!p2 $0x0  }
0x1d: {  	s5 =	simm.s32 @p1 $0x1;
	p0 =	seq.s32 s7, s2  }
0x1e: {  	s7 =	smul.u32 @!p0 $0xF7A, s2;
	p2 =	seq.s32 @!p0 s5, $0x0  }
0x1f: {  	s9 =	smul.u32 $0xF7A, s1;
	s8 =	simm.s32 @!p0 $0x1BF5;
	p2 =	por !p2, p0  }
0x20: {  	[sflag:s8] =	ssyncset.s32 @!p0 $0xFFFFF086;
	s6 =	sadd.s32 @!p0 s3, s7;
	s7 =	simm.s32 @!p0 $0x108  }
0x21: {  	s3 =	sadd.s32 s3, s9;
	s6 =	sadd.s32 @!p0 $0x88, s6;
	s7 =	simm.s32 @p2 $0x1082  }
0x22: {  	[simem:s7], [sflag:s8] =	dma.local @!p0 [hbm:s6], $0xF7A  }
0x23: {  	s9 =	sor.u32 $0xD0000000, s2;
	s6 =	simm.s32 $0x108;
	_ =	swait.ge @!p0 [sflag:s8], $0x0  }
0x24: {  	s3 =	sadd.s32 $0x88, s3;
	s6 =	simm.s32 @!p1 $0x1082;
	[sflag:s4] =	ssyncset.s32 $0xFFFFF086  }
0x25: {  	[simem:s6], [sflag:s4] =	dma.local [hbm:s3], $0xF7A  }
0x26: {  	[smem:$0x3F9B] =	sst s1;
	(tag) =	ssettag s2;
	_ =	strace s9  }
0x27: {  	s1 =	sld [smem:$0x3FAB]  }
0x28: {  	s2 =	sld [smem:$0x3FAC]  }
0x29: {  	s4 =	sld [smem:$0x3FAE]  }
0x2a: {  	p0 =	seq.s32 s5, $0x0;
	s5 =	sld [smem:$0x3FAF]  }
0x2b: {  	s6 =	sld [smem:$0x3FB0]  }
0x2c: {  	s7 =	sld [smem:$0x3FB1]  }
0x2d: {  	s3 =	simm.s32 $0x108;
	s8 =	sld [smem:$0x3FB2]  }
0x2e: {  	s3 =	simm.s32 @!p0 $0x1082;
	s9 =	sld [smem:$0x3FB3]  }
0x2f: {  	lr =	sadd.s32 s0, s3;
	s0 =	sld [smem:$0x3FAA]  }
0x30: {  	s3 =	sld [smem:$0x3FAD]  }
0x31: {  	[smem:$0x3FB6] =	sst s10  }
0x32: {  	s10 =	sld [smem:$0x3FB4];
	_ =	sdelay $0x3  }
0x33: {  	p0 =	seq.s32 s10, $0x1;
	s10 =	sld [smem:$0x3FB6];
	_ =	sdelay $0x3  }
0x34: {  	[smem:$0x3FB6] =	sst s10  }
0x35: {  	s10 =	sld [smem:$0x3FB5];
	_ =	sdelay $0x3  }
0x36: {  	p1 =	seq.s32 s10, $0x1;
	s10 =	sld [smem:$0x3FB6];
	_ =	sdelay $0x3  }
0x37: {  	[smem:$0x3FB6] =	sst s10  }
0x38: {  	s10 =	sld [smem:$0x3FB7]  }
0x39: {  	_ = 	snop;
	(pc) =	sbr.ind lr, $3  }
0x3a: {  	_ = 	snop  }
0x3b: {  	_ = 	snop  }
0x3c: {  	p2 =	seq.s32 s10, $0x1;
	s10 =	sld [smem:$0x3FB6]  }
0x3d: {  	_ =	shalt  }
0x3e: {  	_ =	shalt  }
0x3f: {  	_ =	shalt  }
0x40: {  	_ =	shalt  }
0x41: {  	_ =	shalt  }
0x42: {  	_ =	shalt  }
0x43: {  	_ =	shalt  }
0x44: {  	_ =	shalt  }
0x45: {  	_ =	shalt  }
0x46: {  	_ =	shalt  }
0x47: {  	_ =	shalt  }
0x48: {  	_ =	shalt  }
0x49: {  	_ =	shalt  }
0x4a: {  	_ =	shalt  }
0x4b: {  	_ =	shalt  }
0x4c: {  	_ =	shalt  }
0x4d: {  	_ =	shalt  }
0x4e: {  	_ =	shalt  }
0x4f: {  	_ =	shalt  }
0x50: {  	_ =	shalt  }
0x51: {  	_ =	shalt  }
0x52: {  	_ =	shalt  }
0x53: {  	_ =	shalt  }
0x54: {  	_ =	shalt  }
0x55: {  	_ =	shalt  }
0x56: {  	_ =	shalt  }
0x57: {  	_ =	shalt  }
0x58: {  	_ =	shalt  }
0x59: {  	_ =	shalt  }
0x5a: {  	_ =	shalt  }
0x5b: {  	_ =	shalt  }
0x5c: {  	_ =	shalt  }
0x5d: {  	_ =	shalt  }
0x5e: {  	_ =	shalt  }
0x5f: {  	_ =	shalt  }
0x60: {  	_ =	shalt  }
0x61: {  	_ =	shalt  }
0x62: {  	_ =	shalt  }
0x63: {  	_ =	shalt  }
0x64: {  	_ =	shalt  }
0x65: {  	_ =	shalt  }
0x66: {  	_ =	shalt  }
0x67: {  	_ =	shalt  }
0x68: {  	_ =	shalt  }
0x69: {  	_ =	shalt  }
0x6a: {  	_ =	shalt  }
0x6b: {  	_ =	shalt  }
0x6c: {  	_ =	shalt  }
0x6d: {  	_ =	shalt  }
0x6e: {  	_ =	shalt  }
0x6f: {  	_ =	shalt  }
0x70: {  	_ =	shalt  }
0x71: {  	_ =	shalt  }
0x72: {  	_ =	shalt  }
0x73: {  	_ =	shalt  }
0x74: {  	_ =	shalt  }
0x75: {  	_ =	shalt  }
0x76: {  	_ =	shalt  }
0x77: {  	_ =	shalt  }
0x78: {  	_ =	shalt  }
0x79: {  	_ =	shalt  }
0x7a: {  	_ =	shalt  }
0x7b: {  	_ =	shalt  }
0x7c: {  	_ =	shalt  }
0x7d: {  	_ =	shalt  }
0x7e: {  	_ =	shalt  }
0x7f: {  	_ =	shalt  }
0x80: {  	_ =	shalt  }
0x81: {  	_ =	shalt  }
0x82: {  	_ =	shalt  }
0x83: {  	_ =	shalt  }
0x84: {  	_ =	shalt  }
0x85: {  	_ =	shalt  }
0x86: {  	_ =	shalt  }
0x87: {  	_ =	shalt  }
.Lfunc_end0:
.L_simem_size_0:
called_computation_lowered:
.L_overlay_start_0:
0x88: {  	s2 =	sld [smem:$0x3FD9]  }
0x89: {  	s3 =	sld [smem:$0x3FFE];
	_ =	sdelay $0x1  }
0x8a: {  	s1 =	srdreg.scid  }
0x8b: {  	s0 =	sand.u32 $0x1, s1  }
0x8c: {  	s14 =	sshll.u32 s0, $0xA;
	s2 =	sadd.s32 s3, s2  }
0x8d: {  	s2 =	sadd.s32 s2, s14  }
0x8e: {  	[smem:$0x3FC2] =	sst s2  }
0x8f: {  	_ = 	snop  }
0x90: {  	s2 =	sld [smem:$0x3FD0];
	_ =	sdelay $0x2  }
0x91: {  	s15 =	simm.s32 $0xA;
	s4 =	simm.s32 $0x10  }
0x92: {  	[smem:s4], [sflag:s15] =	dma.local [hbm:s2], $0x1  }
0x93: {  	_ =	swait.eq [sflag:s15], $0x1  }
0x94: {  	[sflag:s15] =	ssyncset.done $0x0  }
0x95: {  	[sflag:s15] =	ssyncadd.s32 $0xFFFFFFFF  }
0x96: {  	s16 =	sld [smem:$0x11];
	(tm) =	ssettm $0x1  }
0x97: {  	s17 =	sld [smem:$0x3FFB];
	_ =	sdelay $0x3  }
0x98: {  	_ =	strace s17  }
0x99: {  	s3 =	sld [smem:$0x3FFC];
	_ =	sdelay $0x3  }
0x9a: {  	_ =	strace s3  }
0x9b: {  	s3 =	sld [smem:$0x3FFD];
	_ =	sdelay $0x3  }
0x9c: {  	_ =	strace s3  }
0x9d: {  	_ =	strace $0x8FFFFFFF  }
0x9e: {  	s18 =	sld [smem:$0x3FDB];
	_ =	sdelay $0x1  }
0x9f: {  	s19 =	simm.s32 $_scs_section_size  }
0xa0: {  	s5 =	simm.s32 $_size__tile_overlayer_lowered;
	s6 =	simm.s32 $_tile_overlayer_lowered  }
0xa1: {  	s22 =	simm.s32 $0x1BFF;
	s21 =	sshll.u32 s6, $0x1;
	s3 =	sadd.s32 s19, s18  }
0xa2: {  	s7 =	simm.s32 $0x0;
	s20 =	sshll.u32 s5, $0x1;
	s5 =	sadd.s32 s21, s3  }
0xa3: {  	[timem:s7], [sflag:s22] =	dma.local [hbm:s5], s20  }
0xa4: {  	_ =	swait.ge [sflag:s22], s20  }
0xa5: {  	s4 =	ssub.s32 $0x0, s20;
	[sflag:s22] =	ssyncset.done $0x0  }
0xa6: {  	[sflag:s22] =	ssyncadd.s32 s4;
	_ =	sdelay $0x1  }
0xa7: {  	s23 =	simm.s32 $0x1B8B  }
0xa8: {  	_ =	swait.ge [sflag:s23], $0x1  }
0xa9: {  	[sflag:s23] =	ssyncset.done $0x0  }
0xaa: {  	s25 =	simm.s32 $0x1B8E;
	s24 =	sld [smem:$0x3FFE];
	[sflag:s23] =	ssyncadd.s32 $0xFFFFFFFF  }
0xab: {  	s26 =	simm.s32 $execute0_lowered;
	[smem:$0x3FD2] =	sst s25  }
0xac: {  	s5 =	sshll.u32 s26, $0x1;
	_ =	strace $0x80000046;
	[dreg:$0x1] =	wrdreg $0xFFFFFFFF  }
0xad: {  	s28 =	simm.s32 $_size_execute0_lowered;
	s3 =	sadd.s32 s3, s5;
	[dreg:$0x0] =	wrdreg $0x0  }
0xae: {  	s5 =	sshll.u32 s28, $0x1;
	[dreg:$0x2] =	wrdreg s3  }
0xaf: {  	[dreg:$0x3] =	wrdreg s5  }
0xb0: {  	[dreg:$0x4] =	wrdreg $0xC0  }
0xb1: {  	_ =	task [dreg:s7], $0x5FFFF  }
0xb2: {  	[dreg:$0x1] =	wrdreg $0xFFFFFFFF  }
0xb3: {  	[dreg:$0x0] =	wrdreg $0x60  }
0xb4: {  	[dreg:$0x2] =	wrdreg s24  }
0xb5: {  	[dreg:$0x3] =	wrdreg s16  }
0xb6: {  	[dreg:$0x4] =	wrdreg $0x1000  }
0xb7: {  	[dreg:$0x5] =	wrdreg $0x9  }
0xb8: {  	_ =	task.clear_ibuf [dreg:s7], $0x6FFFF;
	_ =	strace $0x90000046  }
0xb9: {  	s29 =	simm.s32 $0x9;
	_ =	strace $0x80000048  }
0xba: {  	_ =	swait.ge [sflag:s29], $0x1  }
0xbb: {  	[sflag:s29] =	ssyncadd.s32 $0xFFFFFFFF  }
0xbc: {  	_ =	strace $0x90000048  }
0xbd: {  	_ =	sfence  }
0xbe: {  	s30 =	sld [smem:$0x0];
	_ =	sdelay $0x2  }
0xbf: {  	s31 =	sshll.u32 s1, $0xD;
	s1 =	sshrl.u32 s1, $0x2  }
0xc0: {  	s3 =	sand.u32 $0x4000, s31;
	s1 =	sadd.s32 s1, s30  }
0xc1: {  	s0 =	sor.u32 s3, s0;
	s1 =	sshll.u32 s1, $0x11  }
0xc2: {  	s0 =	sor.u32 s1, s0  }
0xc3: {  	s0 =	sadd.s32 $0x8F2B, s0  }
0xc4: {  	[sflag:s0] =	ssyncadd.remote.s32 $0x1  }
0xc5: {  	_ =	sfence.sel $0xFFFF  }
0xc6: {  	[dreg:$0x0] =	wrdreg $0xFFFFFFFF;
	(pc) =	sbr.abs _section_cstart, $3  }
0xc7: {  	[dreg:$0x1] =	wrdreg $0xFFFFFFFF  }
0xc8: {  	_ =	task.clear_ibuf [dreg:s7], $0x2FFFF;
	_ =	strace $0x9FFFFFFF  }
0xc9: {  	(tm) =	ssettm $0x7FFFFFFF  }
tec
execute0_lowered:
.L_overlay_start_1:
0x0: {  	(tag) =	ssettag $0x1  }
0x1: {  	s4 =	rddreg [dreg:$0x0]  }
0x2: {  	s7 =	rddreg [dreg:$0x1]  }
0x3: {  	s2 =	rddreg [dreg:$0x2]  }
0x4: {  	s0 =	rddreg [dreg:$0x3];
	s1 =	stileid.u32  }
0x5: {  	s3 =	simm.s32 $0x0;
	s6 =	srdreg.scid;
	s5 =	smul.u32 $0x280, s1  }
0x6: {  	s15 =	simm.s32 $0x0;
	[smem:$0x7FF] =	sst s3;
	s8 =	smul.u32 $0xA00, s1  }
0x7: {  	s6 =	sand.u32 $0x1, s6;
	s28 =	smul.u32 $0x500, s1;
	s29 =	sshll.u32 s1, $0x6  }
0x8: {  	_ =	strace $0x80000047;
	s10 =	ssub.s32 $0x2, s6;
	s13 =	sshll.u32 s6, $0x7  }
0x9: {  	s14 =	smul.u32 $0x500, s6;
	s6 =	sor.u32 $0x1C01, s29;
	s9 =	sshrl.u32 s5, $0x3  }
0xa: {  	s8 =	sadd.s32 s8, s4;
	s11 =	sshrl.u32 s10, $0x1;
	s12 =	sadd.s32 s5, s2  }
0xb: {  	s30 =	sor.u32 s13, s28;
	s13 =	simm.s32 $0x20;
	s9 =	sadd.s32 s9, s4  }
0xc: {  	s4 =	sadd.s32 $0xBE00, s4;
	s10 =	ssub.s32 s10, s11;
	s31 =	sadd.s32 s14, s8  }
0xd: {  	s11 =	simm.s32 $0x1;
	s14 =	simm.s32 $0x10;
	s5 =	sadd.s32 $0xB800, s9  }
0xe: {  	s9 =	sshrl.u32 s30, $0x3;
	s8 =	smax.u32 s10, $0x1;
	s10 =	sshrl.u32 s12, $0x3  }
0xf: {  	s12 =	simm.s32 $0x80;
	s7 =	sadd.s32 s7, s9;
	s9 =	sadd.s32 $0x1800, s31  }
.LBB2_1:
0x10: {  	[spmem:s10], [sflag:s6] =	dma.local [hbm:s5], $0x50  }
0x11: {  	_ =	swait.ge [sflag:s11], $0x50  }
0x12: {  	[sflag:s11] =	ssyncset.done $0x0  }
0x13: {  	[sflag:s11] =	ssyncadd.s32 $0xFFFFFFB0  }
0x14: {  	[tilespmem:s12], [sflag:$0x1] =	stream.linear.gather [hbm4b:s4+s3], $0x80, $0x38;
	[tilespmem:$0x380] =	vst v63  }
0x15: {  	_ =	swait.ge [sflag:s11], $0x80  }
0x16: {  	[sflag:s11] =	ssyncset.done $0x0  }
0x17: {  	[sflag:s11] =	ssyncadd.s32 $0xFFFFFF80  }
0x18: {  	s16 =	sadd.s32 $0x0, s9;
	[bflag:$0x0] =	sbarrier.arrive $0xFFFF  }
0x19: {  	[tilespmem:s3], [sflag:$0x1] =	stream.linear.gather [hbm4b:s16+s3], $0x80, $0x38;
	[tilespmem:$0x380] =	vst v63  }
0x1a: {  	_ =	swait.ge [sflag:s11], $0x80  }
0x1b: {  	[sflag:s11] =	ssyncset.done $0x0  }
0x1c: {  	[sflag:s11] =	ssyncadd.s32 $0xFFFFFF80  }
0x1d: {  	[spmem:s2] =	stream.indirect.scatter.add.f32 [tilespmem:s12], [sflag:$0x1], $0x1, s3, s12, $0xb8;
	[tilespmem:$0x380] =	vst v63  }
0x1e: {  	_ =	swait.ge [sflag:s11], $0x80  }
0x1f: {  	s17 =	simm.s32 $0x20;
	s16 =	simm.s32 $0x10;
	[sflag:s11] =	ssyncset.done $0x0  }
.LBB2_2:
0x20: {  	s18 =	sadd.s32 s16, s9  }
0x21: {  	[sflag:s11] =	ssyncadd.s32 $0xFFFFFF80;
	s16 =	smov.u32 s17;
	s19 =	sadd.s32 $0x10, s17  }
0x22: {  	[tilespmem:s3], [sflag:$0x1] =	stream.linear.gather [hbm4b:s18+s3], $0x80, $0x38;
	[tilespmem:$0x380] =	vst v63  }
0x23: {  	p0 =	sne.s32 s17, $0x4F0;
	_ =	swait.ge [sflag:s11], $0x80  }
.Ltmp0:
0x24: {  	[sflag:s11] =	ssyncset.done $0x0;
	(pc) =	sbr.rel @p0 .LBB2_2-.Ltmp0, $4  }
0x25: {  	[sflag:s11] =	ssyncadd.s32 $0xFFFFFF80  }
0x26: {  	[spmem:s2] =	stream.indirect.scatter.add.f32 [tilespmem:s12], [sflag:$0x1], $0x1, s3, s12, $0xb8;
	[tilespmem:$0x380] =	vst v63  }
0x27: {  	_ =	swait.ge [sflag:s11], $0x80  }
0x28: {  	s17 =	smov.u32 s19;
	[sflag:s11] =	ssyncset.done $0x0  }
0x29: {  	s16 =	sadd.s32 s16, s9;
	[sflag:s11] =	ssyncadd.s32 $0xFFFFFF80  }
0x2a: {  	[tilespmem:s3], [sflag:$0x1] =	stream.linear.gather [hbm4b:s16+s3], $0x80, $0x38;
	[tilespmem:$0x380] =	vst v63  }
0x2b: {  	_ =	swait.ge [sflag:s11], $0x80  }
0x2c: {  	[sflag:s11] =	ssyncset.done $0x0  }
0x2d: {  	[sflag:s11] =	ssyncadd.s32 $0xFFFFFF80  }
0x2e: {  	[spmem:s2] =	stream.indirect.scatter.add.f32 [tilespmem:s12], [sflag:$0x1], $0x1, s3, s12, $0xb8;
	[tilespmem:$0x380] =	vst v63  }
0x2f: {  	_ =	swait.ge [sflag:s11], $0x80  }
0x30: {  	s15 =	sadd.s32 $0x1, s15;
	[sflag:s11] =	ssyncset.done $0x0  }
0x31: {  	p0 =	sne.s32 s15, s8;
	[sflag:s11] =	ssyncadd.s32 $0xFFFFFF80  }
.Ltmp1:
0x32: {  	[bflag:$0x0] =	sbarrier.arrive $0xFFFF;
	(pc) =	sbr.rel @p0 .LBB2_1-.Ltmp1, $4  }
0x33: {  	[hbm:s7@s13], [sflag:s6] =	dma.strided [spmem:s10@s14], $0x50, s11, $0x10   }
0x34: {  	_ =	swait.ge [sflag:s11], $0x50  }
0x35: {  	[sflag:s11] =	ssyncset.done $0x0  }
0x36: {  	[sflag:s11] =	ssyncadd.s32 $0xFFFFFFB0  }
0x37: {  	_ =	sfence.sel $0x180000  }
0x38: {  	[bflag:$0x0] =	sbarrier.arrive $0xFFFF  }
0x39: {  	p0 =	sne.s32 s1, $0x0;
	_ =	strace $0x90000047  }
0x3a: {  	s0 =	sadd.s32 @!p0 $0x100000, s0;
	[bflag:$0x2] =	sbarrier.arrive $0xFFFF  }
0x3b: {  	[sflag:s0] =	ssyncadd.tile.s32 @!p0 $0x1;
	_ =	shalt  }
.Lfunc_end2:
_tile_overlayer_lowered:
.L_overlay_start_2:
0x3c: {  	(tag) =	ssettag $0x2  }
0x3d: {  	s0 =	rddreg [dreg:$0x0];
	s2 =	stileid.u32  }
0x3e: {  	s1 =	rddreg [dreg:$0x1];
	p0 =	sne.s32 s2, $0x0  }
0x3f: {  	s3 =	rddreg [dreg:$0x2];
	[bflag:$0x3] =	sbarrier.arrive $0xFFFF;
	s2 =	simm.s32 @!p0 $0x1C01  }
0x40: {  	[timem:s3], [sflag:s2] =	dma.local @!p0 [hbm:s0], s1  }
0x41: {  	s0 =	simm.s32 @!p0 $0x1  }
0x42: {  	_ =	swait.ge @!p0 [sflag:s0], s1  }
0x43: {  	s1 =	ssub.s32 @!p0 $0x0, s1;
	[sflag:s0] =	ssyncset.done @!p0 $0x0  }
0x44: {  	[sflag:s0] =	ssyncadd.s32 @!p0 s1  }
0x45: {  	[bflag:$0x3] =	sbarrier.arrive $0xFFFF  }
0x46: {  	_ =	shalt  }

</sc_bundles>
